<compile_context>
chip_gen: v7x
topology: tpu7x:2x2x1
jax: 0.10.2.dev20260603
libtpu: 0.0.44.dev20260713+nightly
codegen_flags: <defaults>
</compile_context>

<pallas_src>
import functools

import jax
import jax.numpy as jnp
from jax import lax
from jax.experimental import pallas as pl
from jax.experimental.pallas import tpu as pltpu
from jax.experimental.pallas import tpu_sc as plsc


def _sc_gather(idx, x, chunk, hbm_chunks):
    (B,) = idx.shape
    V, D = x.shape
    info = plsc.get_sparse_core_info()
    nc, ns = info.num_cores, info.num_subcores
    nw = nc * ns
    b_per_w = B // nw
    n_full = b_per_w // chunk
    tail = b_per_w - n_full * chunk
    if n_full % 2:
        n_full -= 1
        tail += chunk
    assert B % nw == 0 and chunk % 8 == 0 and tail % 8 == 0 and tail <= chunk
    assert hbm_chunks % 2 == 0 and hbm_chunks + 2 <= n_full

    mesh = plsc.VectorSubcoreMesh(core_axis_name="c", subcore_axis_name="s")

    @functools.partial(
        pl.kernel,
        mesh=mesh,
        out_type=jax.ShapeDtypeStruct((B, D), x.dtype),
        scratch_types=[
            pltpu.VMEM_SHARED((V, D), x.dtype),
            pltpu.VMEM((b_per_w,), jnp.int32),
            pltpu.VMEM((chunk, D), x.dtype),
            pltpu.VMEM((chunk, D), x.dtype),
            pltpu.SemaphoreType.DMA,
            pltpu.SemaphoreType.DMA,
            pltpu.SemaphoreType.DMA,
            pltpu.SemaphoreType.DMA,
            pltpu.SemaphoreType.DMA,
        ],
    )
    def k(idx_hbm, x_hbm, out_hbm, x_sp, idx_v, rows0, rows1, g0, g1, s0, s1, st):
        sid = lax.axis_index("s")
        wid = sid * nc + lax.axis_index("c")
        base = wid * b_per_w
        rows = (rows0, rows1)
        gsem = (g0, g1)
        ssem = (s0, s1)

        v_per_s = (V // ns) // 8 * 8
        stage = pltpu.make_async_copy(
            x_hbm.at[pl.ds(sid * v_per_s, v_per_s)],
            x_sp.at[pl.ds(sid * v_per_s, v_per_s)],
            st,
        )
        stage.start()
        v_rem = V - ns * v_per_s
        if v_rem:
            stage_rem = pltpu.make_async_copy(
                x_hbm.at[pl.ds(ns * v_per_s, v_rem)],
                x_sp.at[pl.ds(ns * v_per_s, v_rem)],
                st,
            )

            @pl.when(sid == 0)
            def _():
                stage_rem.start()

        pltpu.sync_copy(idx_hbm.at[pl.ds(base, b_per_w)], idx_v)

        def gather_hbm(j, b):
            return pltpu.make_async_copy(
                x_hbm.at[idx_v.at[pl.ds(j * chunk, chunk)]], rows[b], gsem[b]
            )

        def gather(j, b, sz=chunk):
            return pltpu.make_async_copy(
                x_sp.at[idx_v.at[pl.ds(j * chunk, sz)]],
                rows[b].at[pl.ds(0, sz)],
                gsem[b],
            )

        def scatter(j, b, sz=chunk):
            return pltpu.make_async_copy(
                rows[b].at[pl.ds(0, sz)],
                out_hbm.at[pl.ds(base + j * chunk, sz)],
                ssem[b],
            )

        gather_hbm(0, 0).start()
        gather_hbm(1, 1).start()

        def body1(i, carry):
            for b in range(2):
                j = 2 * i + b
                gather_hbm(j, b).wait()
                scatter(j, b).start()

                @pl.when(j + 2 < hbm_chunks)
                def _():
                    scatter(j, b).wait()
                    gather_hbm(j + 2, b).start()

            return carry

        lax.fori_loop(0, hbm_chunks // 2, body1, 0)

        stage.wait()
        if v_rem:

            @pl.when(sid == 0)
            def _():
                stage_rem.wait()

        plsc.subcore_barrier()

        scatter(hbm_chunks - 2, 0).wait()
        gather(hbm_chunks, 0).start()
        scatter(hbm_chunks - 1, 1).wait()
        gather(hbm_chunks + 1, 1).start()

        def body2(i2, carry):
            for b in range(2):
                j = hbm_chunks + 2 * i2 + b
                gather(j, b).wait()
                scatter(j, b).start()

                @pl.when(j + 2 < n_full)
                def _():
                    scatter(j, b).wait()
                    gather(j + 2, b).start()

                if tail:
                    @pl.when(j + 2 == n_full)
                    def _():
                        scatter(j, b).wait()
                        gather(n_full, 0, tail).start()

            return carry

        lax.fori_loop(0, (n_full - hbm_chunks) // 2, body2, 0)
        if tail:
            gather(n_full, 0, tail).wait()
            scatter(n_full, 0, tail).start()
            scatter(n_full - 1, 1).wait()
            scatter(n_full, 0, tail).wait()
        else:
            scatter(n_full - 2, 0).wait()
            scatter(n_full - 1, 1).wait()

    return k(idx, x)


def kernel(edge_index, x):
    idx = edge_index[1]
    return _sc_gather(idx, x, chunk=80, hbm_chunks=8)

# --- scband reference (transcript-rebuilt; emitter-appended) ---
"""Pipeline reference for scband-message-passing-45037027066324 (READ-ONLY COPY).

The authoritative reference and input builder live on the scoring server;
editing this copy changes nothing except your own understanding.
"""

import jax, jax.numpy as jnp
import numpy as np

N_NODES = 10000
N_EDGES = 320000
D_FEAT = 128


def setup_inputs(seed: int = 0) -> dict:
    key = jax.random.key(seed)
    k1, k2 = jax.random.split(key)
    edge_index = jax.random.randint(k1, (2, N_EDGES), 0, N_NODES, dtype=jnp.int32)
    x = jax.random.normal(k2, (N_NODES, D_FEAT), dtype=jnp.float32)
    return {"edge_index": edge_index, "x": x}


def reference(edge_index, x):
    # MessagePassing base class with default message(x_j) and identity update:
    # propagate(edge_index, x=x) lifts x to source nodes via edge_index[1]
    # (the '_j' suffix path), i.e. out = x[edge_index[1]]. No aggregation
    # occurs in this simplified base class; update is identity.
    x_j = jnp.take(x, edge_index[1], axis=0)
    return x_j

if __name__ == "__main__":
    import jax
    _d = setup_inputs()
    print(jax.jit(kernel)(*tuple(_d.values())))

</pallas_src>

<mosaic_0001>
#map = affine_map<(d0, d1) -> (0)>
#map1 = affine_map<(d0, d1) -> (0, 0)>
module attributes {stable_mosaic.version = 14 : i64} {
  func.func @k(%arg0: i32, %arg1: i32, %arg2: memref<320000xi32, #tpu.memory_space<hbm>>, %arg3: memref<10000x128xf32, #tpu.memory_space<hbm>>, %arg4: memref<320000x128xf32, #tpu.memory_space<hbm>>, %arg5: memref<10000x128xf32, #tpu.memory_space<vmem_shared>>, %arg6: memref<10000xi32, #tpu.memory_space<vmem>>, %arg7: memref<80x128xf32, #tpu.memory_space<vmem>>, %arg8: memref<80x128xf32, #tpu.memory_space<vmem>>, %arg9: memref<!tpu.dma_semaphore, #tpu.memory_space<semaphore_mem>>, %arg10: memref<!tpu.dma_semaphore, #tpu.memory_space<semaphore_mem>>, %arg11: memref<!tpu.dma_semaphore, #tpu.memory_space<semaphore_mem>>, %arg12: memref<!tpu.dma_semaphore, #tpu.memory_space<semaphore_mem>>, %arg13: memref<!tpu.dma_semaphore, #tpu.memory_space<semaphore_mem>>) attributes {dimension_semantics = [#tpu.dimension_semantics<core_parallel>, #tpu.dimension_semantics<subcore_parallel>], iteration_bounds = array<i64: 2, 16>, scalar_prefetch = 0 : i64, scratch_operands = 9 : i64, tpu.core_type = #tpu.core_type<sc_vector_subcore>, window_params = [{transform_indices = #map}, {transform_indices = #map1}, {transform_indices = #map1}]} {
    %mul3A = arith.constant 2 : i32
    %mul3A_0 = arith.muli %arg1, %mul3A : i32
    %add3A = arith.addi %mul3A_0, %arg0 : i32
    %mul3A_1 = arith.constant 10000 : i32
    %mul3A_2 = arith.muli %add3A, %mul3A_1 : i32
    %mul3A_3 = arith.constant 624 : i32
    %mul3A_4 = arith.muli %arg1, %mul3A_3 : i32
    %mul3A_5 = arith.constant 624 : i32
    %mul3A_6 = arith.muli %arg1, %mul3A_5 : i32
    %dma_start3A = arith.constant 0 : i32
    %dma_start3A_7 = tpu.memref_slice %arg5[%mul3A_6, %dma_start3A] : memref<10000x128xf32, #tpu.memory_space<vmem_shared>> -> memref<624x128xf32, #tpu.memory_space<vmem_shared>>
    %dma_start3A_8 = arith.constant 0 : i32
    %dma_start3A_9 = tpu.memref_slice %arg3[%mul3A_4, %dma_start3A_8] : memref<10000x128xf32, #tpu.memory_space<hbm>> -> memref<624x128xf32, #tpu.memory_space<hbm>>
    tpu.enqueue_dma source(%dma_start3A_9 : memref<624x128xf32, #tpu.memory_space<hbm>>) target(%dma_start3A_7 : memref<624x128xf32, #tpu.memory_space<vmem_shared>>) target_semaphore(%arg13 : memref<!tpu.dma_semaphore, #tpu.memory_space<semaphore_mem>>)
    %eq3A = arith.constant 0 : i32
    %eq3A_10 = arith.cmpi eq, %arg1, %eq3A : i32
    %convert_element_type3A = arith.extui %eq3A_10 : i1 to i32
    %cond3A = arith.constant 0 : i32
    %cond3A_11 = arith.cmpi ne, %convert_element_type3A, %cond3A : i32
    scf.if %cond3A_11 {
      %dma_start3A_125 = arith.constant 9984 : i32
      %dma_start3A_126 = arith.constant 0 : i32
      %dma_start3A_127 = tpu.memref_slice %arg5[%dma_start3A_125, %dma_start3A_126] : memref<10000x128xf32, #tpu.memory_space<vmem_shared>> -> memref<16x128xf32, #tpu.memory_space<vmem_shared>>
      %dma_start3A_128 = arith.constant 9984 : i32
      %dma_start3A_129 = arith.constant 0 : i32
      %dma_start3A_130 = tpu.memref_slice %arg3[%dma_start3A_128, %dma_start3A_129] : memref<10000x128xf32, #tpu.memory_space<hbm>> -> memref<16x128xf32, #tpu.memory_space<hbm>>
      tpu.enqueue_dma source(%dma_start3A_130 : memref<16x128xf32, #tpu.memory_space<hbm>>) target(%dma_start3A_127 : memref<16x128xf32, #tpu.memory_space<vmem_shared>>) target_semaphore(%arg13 : memref<!tpu.dma_semaphore, #tpu.memory_space<semaphore_mem>>)
    } else {
    }
    "tpu.region"() ({
      %run_scoped3A = tpu.sem_alloc : memref<!tpu.dma_semaphore, #tpu.memory_space<semaphore_mem>>
      %dma_start3A_125 = tpu.memref_slice %arg2[%mul3A_2] : memref<320000xi32, #tpu.memory_space<hbm>> -> memref<10000xi32, #tpu.memory_space<hbm>>
      %dma_start3A_126 = tpu.memref_slice %arg2[%mul3A_2] : memref<320000xi32, #tpu.memory_space<hbm>> -> memref<10000xi32, #tpu.memory_space<hbm>>
      tpu.enqueue_dma source(%dma_start3A_126 : memref<10000xi32, #tpu.memory_space<hbm>>) target(%arg6 : memref<10000xi32, #tpu.memory_space<vmem>>) target_semaphore(%run_scoped3A : memref<!tpu.dma_semaphore, #tpu.memory_space<semaphore_mem>>)
      %dma_wait3A_127 = tpu.memref_slice %arg2[%mul3A_2] : memref<320000xi32, #tpu.memory_space<hbm>> -> memref<10000xi32, #tpu.memory_space<hbm>>
      %dma_wait3A_128 = tpu.memref_slice %arg2[%mul3A_2] : memref<320000xi32, #tpu.memory_space<hbm>> -> memref<10000xi32, #tpu.memory_space<hbm>>
      tpu.wait_dma2 semaphore(%run_scoped3A : memref<!tpu.dma_semaphore, #tpu.memory_space<semaphore_mem>>) src(%dma_wait3A_128 : memref<10000xi32, #tpu.memory_space<hbm>>) dst(%arg6 : memref<10000xi32, #tpu.memory_space<vmem>>)
      tpu.yield
    }) : () -> ()
    %dma_start3A_12 = arith.constant 0 : i32
    %dma_start3A_13 = tpu.memref_slice %arg6[%dma_start3A_12] : memref<10000xi32, #tpu.memory_space<vmem>> -> memref<80xi32, #tpu.memory_space<vmem>>
    %dma_start3A_14 = arith.constant 0 : i32
    %dma_start3A_15 = arith.constant 0 : i32
    %dma_start3A_16 = tpu.memref_slice %arg3[%dma_start3A_14, %dma_start3A_15] : memref<10000x128xf32, #tpu.memory_space<hbm>> -> memref<10000x128xf32, #tpu.memory_space<hbm>>
    tpu.enqueue_indirect_dma source(%dma_start3A_16 : memref<10000x128xf32, #tpu.memory_space<hbm>>) target(%arg7 : memref<80x128xf32, #tpu.memory_space<vmem>>) offsets(%dma_start3A_13 : memref<80xi32, #tpu.memory_space<vmem>>) semaphore(%arg9 : memref<!tpu.dma_semaphore, #tpu.memory_space<semaphore_mem>>)
    %dma_start3A_17 = arith.constant 80 : i32
    %dma_start3A_18 = tpu.memref_slice %arg6[%dma_start3A_17] : memref<10000xi32, #tpu.memory_space<vmem>> -> memref<80xi32, #tpu.memory_space<vmem>>
    %dma_start3A_19 = arith.constant 0 : i32
    %dma_start3A_20 = arith.constant 0 : i32
    %dma_start3A_21 = tpu.memref_slice %arg3[%dma_start3A_19, %dma_start3A_20] : memref<10000x128xf32, #tpu.memory_space<hbm>> -> memref<10000x128xf32, #tpu.memory_space<hbm>>
    tpu.enqueue_indirect_dma source(%dma_start3A_21 : memref<10000x128xf32, #tpu.memory_space<hbm>>) target(%arg8 : memref<80x128xf32, #tpu.memory_space<vmem>>) offsets(%dma_start3A_18 : memref<80xi32, #tpu.memory_space<vmem>>) semaphore(%arg10 : memref<!tpu.dma_semaphore, #tpu.memory_space<semaphore_mem>>)
    %scan3A = arith.constant 0 : i32
    %scan3A_22 = arith.constant 0 : i32
    %scan3A_23 = arith.constant 4 : i32
    %scan3A_24 = arith.addi %scan3A_22, %scan3A_23 : i32
    %scan3A_25 = arith.constant 1 : i32
    scf.for %scan3A_125 = %scan3A_22 to %scan3A_24 step %scan3A_25  : i32 {
      %mul3A_126 = arith.constant 2 : i32
      %mul3A_127 = arith.muli %mul3A_126, %scan3A_125 : i32
      %add3A_128 = arith.constant 0 : i32
      %add3A_129 = arith.addi %mul3A_127, %add3A_128 : i32
      %mul3A_130 = arith.constant 80 : i32
      %mul3A_131 = arith.muli %add3A_129, %mul3A_130 : i32
      %dma_wait3A_132 = tpu.memref_slice %arg6[%mul3A_131] : memref<10000xi32, #tpu.memory_space<vmem>> -> memref<80xi32, #tpu.memory_space<vmem>>
      %dma_wait3A_133 = arith.constant 0 : i32
      %dma_wait3A_134 = arith.constant 0 : i32
      %dma_wait3A_135 = tpu.memref_slice %arg3[%dma_wait3A_133, %dma_wait3A_134] : memref<10000x128xf32, #tpu.memory_space<hbm>> -> memref<10000x128xf32, #tpu.memory_space<hbm>>
      tpu.wait_indirect_dma semaphore(%arg9 : memref<!tpu.dma_semaphore, #tpu.memory_space<semaphore_mem>>) src(%dma_wait3A_135 : memref<10000x128xf32, #tpu.memory_space<hbm>>) dst(%arg7 : memref<80x128xf32, #tpu.memory_space<vmem>>)
      %mul3A_136 = arith.constant 80 : i32
      %mul3A_137 = arith.muli %add3A_129, %mul3A_136 : i32
      %add3A_138 = arith.addi %mul3A_2, %mul3A_137 : i32
      %dma_start3A_139 = arith.constant 0 : i32
      %dma_start3A_140 = arith.constant 0 : i32
      %dma_start3A_141 = tpu.memref_slice %arg7[%dma_start3A_139, %dma_start3A_140] : memref<80x128xf32, #tpu.memory_space<vmem>> -> memref<80x128xf32, #tpu.memory_space<vmem>>
      %dma_start3A_142 = arith.constant 0 : i32
      %dma_start3A_143 = tpu.memref_slice %arg4[%add3A_138, %dma_start3A_142] : memref<320000x128xf32, #tpu.memory_space<hbm>> -> memref<80x128xf32, #tpu.memory_space<hbm>>
      %dma_start3A_144 = arith.constant 0 : i32
      %dma_start3A_145 = tpu.memref_slice %arg4[%add3A_138, %dma_start3A_144] : memref<320000x128xf32, #tpu.memory_space<hbm>> -> memref<80x128xf32, #tpu.memory_space<hbm>>
      %dma_start3A_146 = arith.constant 0 : i32
      %dma_start3A_147 = arith.constant 0 : i32
      %dma_start3A_148 = tpu.memref_slice %arg7[%dma_start3A_146, %dma_start3A_147] : memref<80x128xf32, #tpu.memory_space<vmem>> -> memref<80x128xf32, #tpu.memory_space<vmem>>
      tpu.enqueue_dma source(%dma_start3A_148 : memref<80x128xf32, #tpu.memory_space<vmem>>) target(%dma_start3A_145 : memref<80x128xf32, #tpu.memory_space<hbm>>) target_semaphore(%arg11 : memref<!tpu.dma_semaphore, #tpu.memory_space<semaphore_mem>>)
      %add3A_149 = arith.constant 2 : i32
      %add3A_150 = arith.addi %add3A_129, %add3A_149 : i32
      %lt3A = arith.constant 8 : i32
      %lt3A_151 = arith.cmpi slt, %add3A_150, %lt3A : i32
      %convert_element_type3A_152 = arith.extui %lt3A_151 : i1 to i32
      %cond3A_153 = arith.constant 0 : i32
      %cond3A_154 = arith.cmpi ne, %convert_element_type3A_152, %cond3A_153 : i32
      scf.if %cond3A_154 {
        %mul3A_185 = arith.constant 80 : i32
        %mul3A_186 = arith.muli %add3A_129, %mul3A_185 : i32
        %add3A_187 = arith.addi %mul3A_2, %mul3A_186 : i32
        %dma_wait3A_188 = arith.constant 0 : i32
        %dma_wait3A_189 = arith.constant 0 : i32
        %dma_wait3A_190 = tpu.memref_slice %arg7[%dma_wait3A_188, %dma_wait3A_189] : memref<80x128xf32, #tpu.memory_space<vmem>> -> memref<80x128xf32, #tpu.memory_space<vmem>>
        %dma_wait3A_191 = arith.constant 0 : i32
        %dma_wait3A_192 = tpu.memref_slice %arg4[%add3A_187, %dma_wait3A_191] : memref<320000x128xf32, #tpu.memory_space<hbm>> -> memref<80x128xf32, #tpu.memory_space<hbm>>
        %dma_wait3A_193 = arith.constant 0 : i32
        %dma_wait3A_194 = tpu.memref_slice %arg4[%add3A_187, %dma_wait3A_193] : memref<320000x128xf32, #tpu.memory_space<hbm>> -> memref<80x128xf32, #tpu.memory_space<hbm>>
        %dma_wait3A_195 = arith.constant 0 : i32
        %dma_wait3A_196 = arith.constant 0 : i32
        %dma_wait3A_197 = tpu.memref_slice %arg7[%dma_wait3A_195, %dma_wait3A_196] : memref<80x128xf32, #tpu.memory_space<vmem>> -> memref<80x128xf32, #tpu.memory_space<vmem>>
        tpu.wait_dma2 semaphore(%arg11 : memref<!tpu.dma_semaphore, #tpu.memory_space<semaphore_mem>>) src(%dma_wait3A_197 : memref<80x128xf32, #tpu.memory_space<vmem>>) dst(%dma_wait3A_194 : memref<80x128xf32, #tpu.memory_space<hbm>>)
        %add3A_198 = arith.constant 2 : i32
        %add3A_199 = arith.addi %add3A_129, %add3A_198 : i32
        %mul3A_200 = arith.constant 80 : i32
        %mul3A_201 = arith.muli %add3A_199, %mul3A_200 : i32
        %dma_start3A_202 = tpu.memref_slice %arg6[%mul3A_201] : memref<10000xi32, #tpu.memory_space<vmem>> -> memref<80xi32, #tpu.memory_space<vmem>>
        %dma_start3A_203 = arith.constant 0 : i32
        %dma_start3A_204 = arith.constant 0 : i32
        %dma_start3A_205 = tpu.memref_slice %arg3[%dma_start3A_203, %dma_start3A_204] : memref<10000x128xf32, #tpu.memory_space<hbm>> -> memref<10000x128xf32, #tpu.memory_space<hbm>>
        tpu.enqueue_indirect_dma source(%dma_start3A_205 : memref<10000x128xf32, #tpu.memory_space<hbm>>) target(%arg7 : memref<80x128xf32, #tpu.memory_space<vmem>>) offsets(%dma_start3A_202 : memref<80xi32, #tpu.memory_space<vmem>>) semaphore(%arg9 : memref<!tpu.dma_semaphore, #tpu.memory_space<semaphore_mem>>)
      } else {
      }
      %mul3A_155 = arith.constant 2 : i32
      %mul3A_156 = arith.muli %mul3A_155, %scan3A_125 : i32
      %add3A_157 = arith.constant 1 : i32
      %add3A_158 = arith.addi %mul3A_156, %add3A_157 : i32
      %mul3A_159 = arith.constant 80 : i32
      %mul3A_160 = arith.muli %add3A_158, %mul3A_159 : i32
      %dma_wait3A_161 = tpu.memref_slice %arg6[%mul3A_160] : memref<10000xi32, #tpu.memory_space<vmem>> -> memref<80xi32, #tpu.memory_space<vmem>>
      %dma_wait3A_162 = arith.constant 0 : i32
      %dma_wait3A_163 = arith.constant 0 : i32
      %dma_wait3A_164 = tpu.memref_slice %arg3[%dma_wait3A_162, %dma_wait3A_163] : memref<10000x128xf32, #tpu.memory_space<hbm>> -> memref<10000x128xf32, #tpu.memory_space<hbm>>
      tpu.wait_indirect_dma semaphore(%arg10 : memref<!tpu.dma_semaphore, #tpu.memory_space<semaphore_mem>>) src(%dma_wait3A_164 : memref<10000x128xf32, #tpu.memory_space<hbm>>) dst(%arg8 : memref<80x128xf32, #tpu.memory_space<vmem>>)
      %mul3A_165 = arith.constant 80 : i32
      %mul3A_166 = arith.muli %add3A_158, %mul3A_165 : i32
      %add3A_167 = arith.addi %mul3A_2, %mul3A_166 : i32
      %dma_start3A_168 = arith.constant 0 : i32
      %dma_start3A_169 = arith.constant 0 : i32
      %dma_start3A_170 = tpu.memref_slice %arg8[%dma_start3A_168, %dma_start3A_169] : memref<80x128xf32, #tpu.memory_space<vmem>> -> memref<80x128xf32, #tpu.memory_space<vmem>>
      %dma_start3A_171 = arith.constant 0 : i32
      %dma_start3A_172 = tpu.memref_slice %arg4[%add3A_167, %dma_start3A_171] : memref<320000x128xf32, #tpu.memory_space<hbm>> -> memref<80x128xf32, #tpu.memory_space<hbm>>
      %dma_start3A_173 = arith.constant 0 : i32
      %dma_start3A_174 = tpu.memref_slice %arg4[%add3A_167, %dma_start3A_173] : memref<320000x128xf32, #tpu.memory_space<hbm>> -> memref<80x128xf32, #tpu.memory_space<hbm>>
      %dma_start3A_175 = arith.constant 0 : i32
      %dma_start3A_176 = arith.constant 0 : i32
      %dma_start3A_177 = tpu.memref_slice %arg8[%dma_start3A_175, %dma_start3A_176] : memref<80x128xf32, #tpu.memory_space<vmem>> -> memref<80x128xf32, #tpu.memory_space<vmem>>
      tpu.enqueue_dma source(%dma_start3A_177 : memref<80x128xf32, #tpu.memory_space<vmem>>) target(%dma_start3A_174 : memref<80x128xf32, #tpu.memory_space<hbm>>) target_semaphore(%arg12 : memref<!tpu.dma_semaphore, #tpu.memory_space<semaphore_mem>>)
      %add3A_178 = arith.constant 2 : i32
      %add3A_179 = arith.addi %add3A_158, %add3A_178 : i32
      %lt3A_180 = arith.constant 8 : i32
      %lt3A_181 = arith.cmpi slt, %add3A_179, %lt3A_180 : i32
      %convert_element_type3A_182 = arith.extui %lt3A_181 : i1 to i32
      %cond3A_183 = arith.constant 0 : i32
      %cond3A_184 = arith.cmpi ne, %convert_element_type3A_182, %cond3A_183 : i32
      scf.if %cond3A_184 {
        %mul3A_185 = arith.constant 80 : i32
        %mul3A_186 = arith.muli %add3A_158, %mul3A_185 : i32
        %add3A_187 = arith.addi %mul3A_2, %mul3A_186 : i32
        %dma_wait3A_188 = arith.constant 0 : i32
        %dma_wait3A_189 = arith.constant 0 : i32
        %dma_wait3A_190 = tpu.memref_slice %arg8[%dma_wait3A_188, %dma_wait3A_189] : memref<80x128xf32, #tpu.memory_space<vmem>> -> memref<80x128xf32, #tpu.memory_space<vmem>>
        %dma_wait3A_191 = arith.constant 0 : i32
        %dma_wait3A_192 = tpu.memref_slice %arg4[%add3A_187, %dma_wait3A_191] : memref<320000x128xf32, #tpu.memory_space<hbm>> -> memref<80x128xf32, #tpu.memory_space<hbm>>
        %dma_wait3A_193 = arith.constant 0 : i32
        %dma_wait3A_194 = tpu.memref_slice %arg4[%add3A_187, %dma_wait3A_193] : memref<320000x128xf32, #tpu.memory_space<hbm>> -> memref<80x128xf32, #tpu.memory_space<hbm>>
        %dma_wait3A_195 = arith.constant 0 : i32
        %dma_wait3A_196 = arith.constant 0 : i32
        %dma_wait3A_197 = tpu.memref_slice %arg8[%dma_wait3A_195, %dma_wait3A_196] : memref<80x128xf32, #tpu.memory_space<vmem>> -> memref<80x128xf32, #tpu.memory_space<vmem>>
        tpu.wait_dma2 semaphore(%arg12 : memref<!tpu.dma_semaphore, #tpu.memory_space<semaphore_mem>>) src(%dma_wait3A_197 : memref<80x128xf32, #tpu.memory_space<vmem>>) dst(%dma_wait3A_194 : memref<80x128xf32, #tpu.memory_space<hbm>>)
        %add3A_198 = arith.constant 2 : i32
        %add3A_199 = arith.addi %add3A_158, %add3A_198 : i32
        %mul3A_200 = arith.constant 80 : i32
        %mul3A_201 = arith.muli %add3A_199, %mul3A_200 : i32
        %dma_start3A_202 = tpu.memref_slice %arg6[%mul3A_201] : memref<10000xi32, #tpu.memory_space<vmem>> -> memref<80xi32, #tpu.memory_space<vmem>>
        %dma_start3A_203 = arith.constant 0 : i32
        %dma_start3A_204 = arith.constant 0 : i32
        %dma_start3A_205 = tpu.memref_slice %arg3[%dma_start3A_203, %dma_start3A_204] : memref<10000x128xf32, #tpu.memory_space<hbm>> -> memref<10000x128xf32, #tpu.memory_space<hbm>>
        tpu.enqueue_indirect_dma source(%dma_start3A_205 : memref<10000x128xf32, #tpu.memory_space<hbm>>) target(%arg8 : memref<80x128xf32, #tpu.memory_space<vmem>>) offsets(%dma_start3A_202 : memref<80xi32, #tpu.memory_space<vmem>>) semaphore(%arg10 : memref<!tpu.dma_semaphore, #tpu.memory_space<semaphore_mem>>)
      } else {
      }
    }
    %scan3A_26 = arith.constant 4 : i32
    %dma_wait3A = arith.constant 0 : i32
    %dma_wait3A_27 = tpu.memref_slice %arg5[%mul3A_6, %dma_wait3A] : memref<10000x128xf32, #tpu.memory_space<vmem_shared>> -> memref<624x128xf32, #tpu.memory_space<vmem_shared>>
    %dma_wait3A_28 = arith.constant 0 : i32
    %dma_wait3A_29 = tpu.memref_slice %arg3[%mul3A_4, %dma_wait3A_28] : memref<10000x128xf32, #tpu.memory_space<hbm>> -> memref<624x128xf32, #tpu.memory_space<hbm>>
    tpu.wait_dma2 semaphore(%arg13 : memref<!tpu.dma_semaphore, #tpu.memory_space<semaphore_mem>>) src(%dma_wait3A_29 : memref<624x128xf32, #tpu.memory_space<hbm>>) dst(%dma_wait3A_27 : memref<624x128xf32, #tpu.memory_space<vmem_shared>>)
    %eq3A_30 = arith.constant 0 : i32
    %eq3A_31 = arith.cmpi eq, %arg1, %eq3A_30 : i32
    %convert_element_type3A_32 = arith.extui %eq3A_31 : i1 to i32
    %cond3A_33 = arith.constant 0 : i32
    %cond3A_34 = arith.cmpi ne, %convert_element_type3A_32, %cond3A_33 : i32
    scf.if %cond3A_34 {
      %dma_wait3A_125 = arith.constant 9984 : i32
      %dma_wait3A_126 = arith.constant 0 : i32
      %dma_wait3A_127 = tpu.memref_slice %arg5[%dma_wait3A_125, %dma_wait3A_126] : memref<10000x128xf32, #tpu.memory_space<vmem_shared>> -> memref<16x128xf32, #tpu.memory_space<vmem_shared>>
      %dma_wait3A_128 = arith.constant 9984 : i32
      %dma_wait3A_129 = arith.constant 0 : i32
      %dma_wait3A_130 = tpu.memref_slice %arg3[%dma_wait3A_128, %dma_wait3A_129] : memref<10000x128xf32, #tpu.memory_space<hbm>> -> memref<16x128xf32, #tpu.memory_space<hbm>>
      tpu.wait_dma2 semaphore(%arg13 : memref<!tpu.dma_semaphore, #tpu.memory_space<semaphore_mem>>) src(%dma_wait3A_130 : memref<16x128xf32, #tpu.memory_space<hbm>>) dst(%dma_wait3A_127 : memref<16x128xf32, #tpu.memory_space<vmem_shared>>)
    } else {
    }
    %barrier3A = arith.constant 0 : index
    tpu.barrier barrier_id(%barrier3A)
    %add3A_35 = arith.constant 480 : i32
    %add3A_36 = arith.addi %mul3A_2, %add3A_35 : i32
    %dma_wait3A_37 = arith.constant 0 : i32
    %dma_wait3A_38 = arith.constant 0 : i32
    %dma_wait3A_39 = tpu.memref_slice %arg7[%dma_wait3A_37, %dma_wait3A_38] : memref<80x128xf32, #tpu.memory_space<vmem>> -> memref<80x128xf32, #tpu.memory_space<vmem>>
    %dma_wait3A_40 = arith.constant 0 : i32
    %dma_wait3A_41 = tpu.memref_slice %arg4[%add3A_36, %dma_wait3A_40] : memref<320000x128xf32, #tpu.memory_space<hbm>> -> memref<80x128xf32, #tpu.memory_space<hbm>>
    %dma_wait3A_42 = arith.constant 0 : i32
    %dma_wait3A_43 = tpu.memref_slice %arg4[%add3A_36, %dma_wait3A_42] : memref<320000x128xf32, #tpu.memory_space<hbm>> -> memref<80x128xf32, #tpu.memory_space<hbm>>
    %dma_wait3A_44 = arith.constant 0 : i32
    %dma_wait3A_45 = arith.constant 0 : i32
    %dma_wait3A_46 = tpu.memref_slice %arg7[%dma_wait3A_44, %dma_wait3A_45] : memref<80x128xf32, #tpu.memory_space<vmem>> -> memref<80x128xf32, #tpu.memory_space<vmem>>
    tpu.wait_dma2 semaphore(%arg11 : memref<!tpu.dma_semaphore, #tpu.memory_space<semaphore_mem>>) src(%dma_wait3A_46 : memref<80x128xf32, #tpu.memory_space<vmem>>) dst(%dma_wait3A_43 : memref<80x128xf32, #tpu.memory_space<hbm>>)
    %dma_start3A_47 = arith.constant 0 : i32
    %dma_start3A_48 = arith.constant 0 : i32
    %dma_start3A_49 = tpu.memref_slice %arg7[%dma_start3A_47, %dma_start3A_48] : memref<80x128xf32, #tpu.memory_space<vmem>> -> memref<80x128xf32, #tpu.memory_space<vmem>>
    %dma_start3A_50 = arith.constant 640 : i32
    %dma_start3A_51 = tpu.memref_slice %arg6[%dma_start3A_50] : memref<10000xi32, #tpu.memory_space<vmem>> -> memref<80xi32, #tpu.memory_space<vmem>>
    %dma_start3A_52 = arith.constant 0 : i32
    %dma_start3A_53 = arith.constant 0 : i32
    %dma_start3A_54 = tpu.memref_slice %arg5[%dma_start3A_52, %dma_start3A_53] : memref<10000x128xf32, #tpu.memory_space<vmem_shared>> -> memref<10000x128xf32, #tpu.memory_space<vmem_shared>>
    tpu.enqueue_indirect_dma source(%dma_start3A_54 : memref<10000x128xf32, #tpu.memory_space<vmem_shared>>) target(%dma_start3A_49 : memref<80x128xf32, #tpu.memory_space<vmem>>) offsets(%dma_start3A_51 : memref<80xi32, #tpu.memory_space<vmem>>) semaphore(%arg9 : memref<!tpu.dma_semaphore, #tpu.memory_space<semaphore_mem>>)
    %add3A_55 = arith.constant 560 : i32
    %add3A_56 = arith.addi %mul3A_2, %add3A_55 : i32
    %dma_wait3A_57 = arith.constant 0 : i32
    %dma_wait3A_58 = arith.constant 0 : i32
    %dma_wait3A_59 = tpu.memref_slice %arg8[%dma_wait3A_57, %dma_wait3A_58] : memref<80x128xf32, #tpu.memory_space<vmem>> -> memref<80x128xf32, #tpu.memory_space<vmem>>
    %dma_wait3A_60 = arith.constant 0 : i32
    %dma_wait3A_61 = tpu.memref_slice %arg4[%add3A_56, %dma_wait3A_60] : memref<320000x128xf32, #tpu.memory_space<hbm>> -> memref<80x128xf32, #tpu.memory_space<hbm>>
    %dma_wait3A_62 = arith.constant 0 : i32
    %dma_wait3A_63 = tpu.memref_slice %arg4[%add3A_56, %dma_wait3A_62] : memref<320000x128xf32, #tpu.memory_space<hbm>> -> memref<80x128xf32, #tpu.memory_space<hbm>>
    %dma_wait3A_64 = arith.constant 0 : i32
    %dma_wait3A_65 = arith.constant 0 : i32
    %dma_wait3A_66 = tpu.memref_slice %arg8[%dma_wait3A_64, %dma_wait3A_65] : memref<80x128xf32, #tpu.memory_space<vmem>> -> memref<80x128xf32, #tpu.memory_space<vmem>>
    tpu.wait_dma2 semaphore(%arg12 : memref<!tpu.dma_semaphore, #tpu.memory_space<semaphore_mem>>) src(%dma_wait3A_66 : memref<80x128xf32, #tpu.memory_space<vmem>>) dst(%dma_wait3A_63 : memref<80x128xf32, #tpu.memory_space<hbm>>)
    %dma_start3A_67 = arith.constant 0 : i32
    %dma_start3A_68 = arith.constant 0 : i32
    %dma_start3A_69 = tpu.memref_slice %arg8[%dma_start3A_67, %dma_start3A_68] : memref<80x128xf32, #tpu.memory_space<vmem>> -> memref<80x128xf32, #tpu.memory_space<vmem>>
    %dma_start3A_70 = arith.constant 720 : i32
    %dma_start3A_71 = tpu.memref_slice %arg6[%dma_start3A_70] : memref<10000xi32, #tpu.memory_space<vmem>> -> memref<80xi32, #tpu.memory_space<vmem>>
    %dma_start3A_72 = arith.constant 0 : i32
    %dma_start3A_73 = arith.constant 0 : i32
    %dma_start3A_74 = tpu.memref_slice %arg5[%dma_start3A_72, %dma_start3A_73] : memref<10000x128xf32, #tpu.memory_space<vmem_shared>> -> memref<10000x128xf32, #tpu.memory_space<vmem_shared>>
    tpu.enqueue_indirect_dma source(%dma_start3A_74 : memref<10000x128xf32, #tpu.memory_space<vmem_shared>>) target(%dma_start3A_69 : memref<80x128xf32, #tpu.memory_space<vmem>>) offsets(%dma_start3A_71 : memref<80xi32, #tpu.memory_space<vmem>>) semaphore(%arg10 : memref<!tpu.dma_semaphore, #tpu.memory_space<semaphore_mem>>)
    %scan3A_75 = arith.constant 0 : i32
    %scan3A_76 = arith.constant 0 : i32
    %scan3A_77 = arith.constant 58 : i32
    %scan3A_78 = arith.addi %scan3A_76, %scan3A_77 : i32
    %scan3A_79 = arith.constant 1 : i32
    scf.for %scan3A_125 = %scan3A_76 to %scan3A_78 step %scan3A_79  : i32 {
      %mul3A_126 = arith.constant 2 : i32
      %mul3A_127 = arith.muli %mul3A_126, %scan3A_125 : i32
      %add3A_128 = arith.constant 8 : i32
      %add3A_129 = arith.addi %add3A_128, %mul3A_127 : i32
      %add3A_130 = arith.constant 0 : i32
      %add3A_131 = arith.addi %add3A_129, %add3A_130 : i32
      %mul3A_132 = arith.constant 80 : i32
      %mul3A_133 = arith.muli %add3A_131, %mul3A_132 : i32
      %dma_wait3A_134 = arith.constant 0 : i32
      %dma_wait3A_135 = arith.constant 0 : i32
      %dma_wait3A_136 = tpu.memref_slice %arg7[%dma_wait3A_134, %dma_wait3A_135] : memref<80x128xf32, #tpu.memory_space<vmem>> -> memref<80x128xf32, #tpu.memory_space<vmem>>
      %dma_wait3A_137 = tpu.memref_slice %arg6[%mul3A_133] : memref<10000xi32, #tpu.memory_space<vmem>> -> memref<80xi32, #tpu.memory_space<vmem>>
      %dma_wait3A_138 = arith.constant 0 : i32
      %dma_wait3A_139 = arith.constant 0 : i32
      %dma_wait3A_140 = tpu.memref_slice %arg5[%dma_wait3A_138, %dma_wait3A_139] : memref<10000x128xf32, #tpu.memory_space<vmem_shared>> -> memref<10000x128xf32, #tpu.memory_space<vmem_shared>>
      tpu.wait_indirect_dma semaphore(%arg9 : memref<!tpu.dma_semaphore, #tpu.memory_space<semaphore_mem>>) src(%dma_wait3A_140 : memref<10000x128xf32, #tpu.memory_space<vmem_shared>>) dst(%dma_wait3A_136 : memref<80x128xf32, #tpu.memory_space<vmem>>)
      %mul3A_141 = arith.constant 80 : i32
      %mul3A_142 = arith.muli %add3A_131, %mul3A_141 : i32
      %add3A_143 = arith.addi %mul3A_2, %mul3A_142 : i32
      %dma_start3A_144 = arith.constant 0 : i32
      %dma_start3A_145 = arith.constant 0 : i32
      %dma_start3A_146 = tpu.memref_slice %arg7[%dma_start3A_144, %dma_start3A_145] : memref<80x128xf32, #tpu.memory_space<vmem>> -> memref<80x128xf32, #tpu.memory_space<vmem>>
      %dma_start3A_147 = arith.constant 0 : i32
      %dma_start3A_148 = tpu.memref_slice %arg4[%add3A_143, %dma_start3A_147] : memref<320000x128xf32, #tpu.memory_space<hbm>> -> memref<80x128xf32, #tpu.memory_space<hbm>>
      %dma_start3A_149 = arith.constant 0 : i32
      %dma_start3A_150 = tpu.memref_slice %arg4[%add3A_143, %dma_start3A_149] : memref<320000x128xf32, #tpu.memory_space<hbm>> -> memref<80x128xf32, #tpu.memory_space<hbm>>
      %dma_start3A_151 = arith.constant 0 : i32
      %dma_start3A_152 = arith.constant 0 : i32
      %dma_start3A_153 = tpu.memref_slice %arg7[%dma_start3A_151, %dma_start3A_152] : memref<80x128xf32, #tpu.memory_space<vmem>> -> memref<80x128xf32, #tpu.memory_space<vmem>>
      tpu.enqueue_dma source(%dma_start3A_153 : memref<80x128xf32, #tpu.memory_space<vmem>>) target(%dma_start3A_150 : memref<80x128xf32, #tpu.memory_space<hbm>>) target_semaphore(%arg11 : memref<!tpu.dma_semaphore, #tpu.memory_space<semaphore_mem>>)
      %add3A_154 = arith.constant 2 : i32
      %add3A_155 = arith.addi %add3A_131, %add3A_154 : i32
      %lt3A = arith.constant 124 : i32
      %lt3A_156 = arith.cmpi slt, %add3A_155, %lt3A : i32
      %convert_element_type3A_157 = arith.extui %lt3A_156 : i1 to i32
      %cond3A_158 = arith.constant 0 : i32
      %cond3A_159 = arith.cmpi ne, %convert_element_type3A_157, %cond3A_158 : i32
      scf.if %cond3A_159 {
        %mul3A_209 = arith.constant 80 : i32
        %mul3A_210 = arith.muli %add3A_131, %mul3A_209 : i32
        %add3A_211 = arith.addi %mul3A_2, %mul3A_210 : i32
        %dma_wait3A_212 = arith.constant 0 : i32
        %dma_wait3A_213 = arith.constant 0 : i32
        %dma_wait3A_214 = tpu.memref_slice %arg7[%dma_wait3A_212, %dma_wait3A_213] : memref<80x128xf32, #tpu.memory_space<vmem>> -> memref<80x128xf32, #tpu.memory_space<vmem>>
        %dma_wait3A_215 = arith.constant 0 : i32
        %dma_wait3A_216 = tpu.memref_slice %arg4[%add3A_211, %dma_wait3A_215] : memref<320000x128xf32, #tpu.memory_space<hbm>> -> memref<80x128xf32, #tpu.memory_space<hbm>>
        %dma_wait3A_217 = arith.constant 0 : i32
        %dma_wait3A_218 = tpu.memref_slice %arg4[%add3A_211, %dma_wait3A_217] : memref<320000x128xf32, #tpu.memory_space<hbm>> -> memref<80x128xf32, #tpu.memory_space<hbm>>
        %dma_wait3A_219 = arith.constant 0 : i32
        %dma_wait3A_220 = arith.constant 0 : i32
        %dma_wait3A_221 = tpu.memref_slice %arg7[%dma_wait3A_219, %dma_wait3A_220] : memref<80x128xf32, #tpu.memory_space<vmem>> -> memref<80x128xf32, #tpu.memory_space<vmem>>
        tpu.wait_dma2 semaphore(%arg11 : memref<!tpu.dma_semaphore, #tpu.memory_space<semaphore_mem>>) src(%dma_wait3A_221 : memref<80x128xf32, #tpu.memory_space<vmem>>) dst(%dma_wait3A_218 : memref<80x128xf32, #tpu.memory_space<hbm>>)
        %add3A_222 = arith.constant 2 : i32
        %add3A_223 = arith.addi %add3A_131, %add3A_222 : i32
        %mul3A_224 = arith.constant 80 : i32
        %mul3A_225 = arith.muli %add3A_223, %mul3A_224 : i32
        %dma_start3A_226 = arith.constant 0 : i32
        %dma_start3A_227 = arith.constant 0 : i32
        %dma_start3A_228 = tpu.memref_slice %arg7[%dma_start3A_226, %dma_start3A_227] : memref<80x128xf32, #tpu.memory_space<vmem>> -> memref<80x128xf32, #tpu.memory_space<vmem>>
        %dma_start3A_229 = tpu.memref_slice %arg6[%mul3A_225] : memref<10000xi32, #tpu.memory_space<vmem>> -> memref<80xi32, #tpu.memory_space<vmem>>
        %dma_start3A_230 = arith.constant 0 : i32
        %dma_start3A_231 = arith.constant 0 : i32
        %dma_start3A_232 = tpu.memref_slice %arg5[%dma_start3A_230, %dma_start3A_231] : memref<10000x128xf32, #tpu.memory_space<vmem_shared>> -> memref<10000x128xf32, #tpu.memory_space<vmem_shared>>
        tpu.enqueue_indirect_dma source(%dma_start3A_232 : memref<10000x128xf32, #tpu.memory_space<vmem_shared>>) target(%dma_start3A_228 : memref<80x128xf32, #tpu.memory_space<vmem>>) offsets(%dma_start3A_229 : memref<80xi32, #tpu.memory_space<vmem>>) semaphore(%arg9 : memref<!tpu.dma_semaphore, #tpu.memory_space<semaphore_mem>>)
      } else {
      }
      %add3A_160 = arith.constant 2 : i32
      %add3A_161 = arith.addi %add3A_131, %add3A_160 : i32
      %eq3A_162 = arith.constant 124 : i32
      %eq3A_163 = arith.cmpi eq, %add3A_161, %eq3A_162 : i32
      %convert_element_type3A_164 = arith.extui %eq3A_163 : i1 to i32
      %cond3A_165 = arith.constant 0 : i32
      %cond3A_166 = arith.cmpi ne, %convert_element_type3A_164, %cond3A_165 : i32
      scf.if %cond3A_166 {
        %mul3A_209 = arith.constant 80 : i32
        %mul3A_210 = arith.muli %add3A_131, %mul3A_209 : i32
        %add3A_211 = arith.addi %mul3A_2, %mul3A_210 : i32
        %dma_wait3A_212 = arith.constant 0 : i32
        %dma_wait3A_213 = arith.constant 0 : i32
        %dma_wait3A_214 = tpu.memref_slice %arg7[%dma_wait3A_212, %dma_wait3A_213] : memref<80x128xf32, #tpu.memory_space<vmem>> -> memref<80x128xf32, #tpu.memory_space<vmem>>
        %dma_wait3A_215 = arith.constant 0 : i32
        %dma_wait3A_216 = tpu.memref_slice %arg4[%add3A_211, %dma_wait3A_215] : memref<320000x128xf32, #tpu.memory_space<hbm>> -> memref<80x128xf32, #tpu.memory_space<hbm>>
        %dma_wait3A_217 = arith.constant 0 : i32
        %dma_wait3A_218 = tpu.memref_slice %arg4[%add3A_211, %dma_wait3A_217] : memref<320000x128xf32, #tpu.memory_space<hbm>> -> memref<80x128xf32, #tpu.memory_space<hbm>>
        %dma_wait3A_219 = arith.constant 0 : i32
        %dma_wait3A_220 = arith.constant 0 : i32
        %dma_wait3A_221 = tpu.memref_slice %arg7[%dma_wait3A_219, %dma_wait3A_220] : memref<80x128xf32, #tpu.memory_space<vmem>> -> memref<80x128xf32, #tpu.memory_space<vmem>>
        tpu.wait_dma2 semaphore(%arg11 : memref<!tpu.dma_semaphore, #tpu.memory_space<semaphore_mem>>) src(%dma_wait3A_221 : memref<80x128xf32, #tpu.memory_space<vmem>>) dst(%dma_wait3A_218 : memref<80x128xf32, #tpu.memory_space<hbm>>)
        %dma_start3A_222 = arith.constant 0 : i32
        %dma_start3A_223 = arith.constant 0 : i32
        %dma_start3A_224 = tpu.memref_slice %arg7[%dma_start3A_222, %dma_start3A_223] : memref<80x128xf32, #tpu.memory_space<vmem>> -> memref<80x128xf32, #tpu.memory_space<vmem>>
        %dma_start3A_225 = arith.constant 9920 : i32
        %dma_start3A_226 = tpu.memref_slice %arg6[%dma_start3A_225] : memref<10000xi32, #tpu.memory_space<vmem>> -> memref<80xi32, #tpu.memory_space<vmem>>
        %dma_start3A_227 = arith.constant 0 : i32
        %dma_start3A_228 = arith.constant 0 : i32
        %dma_start3A_229 = tpu.memref_slice %arg5[%dma_start3A_227, %dma_start3A_228] : memref<10000x128xf32, #tpu.memory_space<vmem_shared>> -> memref<10000x128xf32, #tpu.memory_space<vmem_shared>>
        tpu.enqueue_indirect_dma source(%dma_start3A_229 : memref<10000x128xf32, #tpu.memory_space<vmem_shared>>) target(%dma_start3A_224 : memref<80x128xf32, #tpu.memory_space<vmem>>) offsets(%dma_start3A_226 : memref<80xi32, #tpu.memory_space<vmem>>) semaphore(%arg9 : memref<!tpu.dma_semaphore, #tpu.memory_space<semaphore_mem>>)
      } else {
      }
      %mul3A_167 = arith.constant 2 : i32
      %mul3A_168 = arith.muli %mul3A_167, %scan3A_125 : i32
      %add3A_169 = arith.constant 8 : i32
      %add3A_170 = arith.addi %add3A_169, %mul3A_168 : i32
      %add3A_171 = arith.constant 1 : i32
      %add3A_172 = arith.addi %add3A_170, %add3A_171 : i32
      %mul3A_173 = arith.constant 80 : i32
      %mul3A_174 = arith.muli %add3A_172, %mul3A_173 : i32
      %dma_wait3A_175 = arith.constant 0 : i32
      %dma_wait3A_176 = arith.constant 0 : i32
      %dma_wait3A_177 = tpu.memref_slice %arg8[%dma_wait3A_175, %dma_wait3A_176] : memref<80x128xf32, #tpu.memory_space<vmem>> -> memref<80x128xf32, #tpu.memory_space<vmem>>
      %dma_wait3A_178 = tpu.memref_slice %arg6[%mul3A_174] : memref<10000xi32, #tpu.memory_space<vmem>> -> memref<80xi32, #tpu.memory_space<vmem>>
      %dma_wait3A_179 = arith.constant 0 : i32
      %dma_wait3A_180 = arith.constant 0 : i32
      %dma_wait3A_181 = tpu.memref_slice %arg5[%dma_wait3A_179, %dma_wait3A_180] : memref<10000x128xf32, #tpu.memory_space<vmem_shared>> -> memref<10000x128xf32, #tpu.memory_space<vmem_shared>>
      tpu.wait_indirect_dma semaphore(%arg10 : memref<!tpu.dma_semaphore, #tpu.memory_space<semaphore_mem>>) src(%dma_wait3A_181 : memref<10000x128xf32, #tpu.memory_space<vmem_shared>>) dst(%dma_wait3A_177 : memref<80x128xf32, #tpu.memory_space<vmem>>)
      %mul3A_182 = arith.constant 80 : i32
      %mul3A_183 = arith.muli %add3A_172, %mul3A_182 : i32
      %add3A_184 = arith.addi %mul3A_2, %mul3A_183 : i32
      %dma_start3A_185 = arith.constant 0 : i32
      %dma_start3A_186 = arith.constant 0 : i32
      %dma_start3A_187 = tpu.memref_slice %arg8[%dma_start3A_185, %dma_start3A_186] : memref<80x128xf32, #tpu.memory_space<vmem>> -> memref<80x128xf32, #tpu.memory_space<vmem>>
      %dma_start3A_188 = arith.constant 0 : i32
      %dma_start3A_189 = tpu.memref_slice %arg4[%add3A_184, %dma_start3A_188] : memref<320000x128xf32, #tpu.memory_space<hbm>> -> memref<80x128xf32, #tpu.memory_space<hbm>>
      %dma_start3A_190 = arith.constant 0 : i32
      %dma_start3A_191 = tpu.memref_slice %arg4[%add3A_184, %dma_start3A_190] : memref<320000x128xf32, #tpu.memory_space<hbm>> -> memref<80x128xf32, #tpu.memory_space<hbm>>
      %dma_start3A_192 = arith.constant 0 : i32
      %dma_start3A_193 = arith.constant 0 : i32
      %dma_start3A_194 = tpu.memref_slice %arg8[%dma_start3A_192, %dma_start3A_193] : memref<80x128xf32, #tpu.memory_space<vmem>> -> memref<80x128xf32, #tpu.memory_space<vmem>>
      tpu.enqueue_dma source(%dma_start3A_194 : memref<80x128xf32, #tpu.memory_space<vmem>>) target(%dma_start3A_191 : memref<80x128xf32, #tpu.memory_space<hbm>>) target_semaphore(%arg12 : memref<!tpu.dma_semaphore, #tpu.memory_space<semaphore_mem>>)
      %add3A_195 = arith.constant 2 : i32
      %add3A_196 = arith.addi %add3A_172, %add3A_195 : i32
      %lt3A_197 = arith.constant 124 : i32
      %lt3A_198 = arith.cmpi slt, %add3A_196, %lt3A_197 : i32
      %convert_element_type3A_199 = arith.extui %lt3A_198 : i1 to i32
      %cond3A_200 = arith.constant 0 : i32
      %cond3A_201 = arith.cmpi ne, %convert_element_type3A_199, %cond3A_200 : i32
      scf.if %cond3A_201 {
        %mul3A_209 = arith.constant 80 : i32
        %mul3A_210 = arith.muli %add3A_172, %mul3A_209 : i32
        %add3A_211 = arith.addi %mul3A_2, %mul3A_210 : i32
        %dma_wait3A_212 = arith.constant 0 : i32
        %dma_wait3A_213 = arith.constant 0 : i32
        %dma_wait3A_214 = tpu.memref_slice %arg8[%dma_wait3A_212, %dma_wait3A_213] : memref<80x128xf32, #tpu.memory_space<vmem>> -> memref<80x128xf32, #tpu.memory_space<vmem>>
        %dma_wait3A_215 = arith.constant 0 : i32
        %dma_wait3A_216 = tpu.memref_slice %arg4[%add3A_211, %dma_wait3A_215] : memref<320000x128xf32, #tpu.memory_space<hbm>> -> memref<80x128xf32, #tpu.memory_space<hbm>>
        %dma_wait3A_217 = arith.constant 0 : i32
        %dma_wait3A_218 = tpu.memref_slice %arg4[%add3A_211, %dma_wait3A_217] : memref<320000x128xf32, #tpu.memory_space<hbm>> -> memref<80x128xf32, #tpu.memory_space<hbm>>
        %dma_wait3A_219 = arith.constant 0 : i32
        %dma_wait3A_220 = arith.constant 0 : i32
        %dma_wait3A_221 = tpu.memref_slice %arg8[%dma_wait3A_219, %dma_wait3A_220] : memref<80x128xf32, #tpu.memory_space<vmem>> -> memref<80x128xf32, #tpu.memory_space<vmem>>
        tpu.wait_dma2 semaphore(%arg12 : memref<!tpu.dma_semaphore, #tpu.memory_space<semaphore_mem>>) src(%dma_wait3A_221 : memref<80x128xf32, #tpu.memory_space<vmem>>) dst(%dma_wait3A_218 : memref<80x128xf32, #tpu.memory_space<hbm>>)
        %add3A_222 = arith.constant 2 : i32
        %add3A_223 = arith.addi %add3A_172, %add3A_222 : i32
        %mul3A_224 = arith.constant 80 : i32
        %mul3A_225 = arith.muli %add3A_223, %mul3A_224 : i32
        %dma_start3A_226 = arith.constant 0 : i32
        %dma_start3A_227 = arith.constant 0 : i32
        %dma_start3A_228 = tpu.memref_slice %arg8[%dma_start3A_226, %dma_start3A_227] : memref<80x128xf32, #tpu.memory_space<vmem>> -> memref<80x128xf32, #tpu.memory_space<vmem>>
        %dma_start3A_229 = tpu.memref_slice %arg6[%mul3A_225] : memref<10000xi32, #tpu.memory_space<vmem>> -> memref<80xi32, #tpu.memory_space<vmem>>
        %dma_start3A_230 = arith.constant 0 : i32
        %dma_start3A_231 = arith.constant 0 : i32
        %dma_start3A_232 = tpu.memref_slice %arg5[%dma_start3A_230, %dma_start3A_231] : memref<10000x128xf32, #tpu.memory_space<vmem_shared>> -> memref<10000x128xf32, #tpu.memory_space<vmem_shared>>
        tpu.enqueue_indirect_dma source(%dma_start3A_232 : memref<10000x128xf32, #tpu.memory_space<vmem_shared>>) target(%dma_start3A_228 : memref<80x128xf32, #tpu.memory_space<vmem>>) offsets(%dma_start3A_229 : memref<80xi32, #tpu.memory_space<vmem>>) semaphore(%arg10 : memref<!tpu.dma_semaphore, #tpu.memory_space<semaphore_mem>>)
      } else {
      }
      %add3A_202 = arith.constant 2 : i32
      %add3A_203 = arith.addi %add3A_172, %add3A_202 : i32
      %eq3A_204 = arith.constant 124 : i32
      %eq3A_205 = arith.cmpi eq, %add3A_203, %eq3A_204 : i32
      %convert_element_type3A_206 = arith.extui %eq3A_205 : i1 to i32
      %cond3A_207 = arith.constant 0 : i32
      %cond3A_208 = arith.cmpi ne, %convert_element_type3A_206, %cond3A_207 : i32
      scf.if %cond3A_208 {
        %mul3A_209 = arith.constant 80 : i32
        %mul3A_210 = arith.muli %add3A_172, %mul3A_209 : i32
        %add3A_211 = arith.addi %mul3A_2, %mul3A_210 : i32
        %dma_wait3A_212 = arith.constant 0 : i32
        %dma_wait3A_213 = arith.constant 0 : i32
        %dma_wait3A_214 = tpu.memref_slice %arg8[%dma_wait3A_212, %dma_wait3A_213] : memref<80x128xf32, #tpu.memory_space<vmem>> -> memref<80x128xf32, #tpu.memory_space<vmem>>
        %dma_wait3A_215 = arith.constant 0 : i32
        %dma_wait3A_216 = tpu.memref_slice %arg4[%add3A_211, %dma_wait3A_215] : memref<320000x128xf32, #tpu.memory_space<hbm>> -> memref<80x128xf32, #tpu.memory_space<hbm>>
        %dma_wait3A_217 = arith.constant 0 : i32
        %dma_wait3A_218 = tpu.memref_slice %arg4[%add3A_211, %dma_wait3A_217] : memref<320000x128xf32, #tpu.memory_space<hbm>> -> memref<80x128xf32, #tpu.memory_space<hbm>>
        %dma_wait3A_219 = arith.constant 0 : i32
        %dma_wait3A_220 = arith.constant 0 : i32
        %dma_wait3A_221 = tpu.memref_slice %arg8[%dma_wait3A_219, %dma_wait3A_220] : memref<80x128xf32, #tpu.memory_space<vmem>> -> memref<80x128xf32, #tpu.memory_space<vmem>>
        tpu.wait_dma2 semaphore(%arg12 : memref<!tpu.dma_semaphore, #tpu.memory_space<semaphore_mem>>) src(%dma_wait3A_221 : memref<80x128xf32, #tpu.memory_space<vmem>>) dst(%dma_wait3A_218 : memref<80x128xf32, #tpu.memory_space<hbm>>)
        %dma_start3A_222 = arith.constant 0 : i32
        %dma_start3A_223 = arith.constant 0 : i32
        %dma_start3A_224 = tpu.memref_slice %arg7[%dma_start3A_222, %dma_start3A_223] : memref<80x128xf32, #tpu.memory_space<vmem>> -> memref<80x128xf32, #tpu.memory_space<vmem>>
        %dma_start3A_225 = arith.constant 9920 : i32
        %dma_start3A_226 = tpu.memref_slice %arg6[%dma_start3A_225] : memref<10000xi32, #tpu.memory_space<vmem>> -> memref<80xi32, #tpu.memory_space<vmem>>
        %dma_start3A_227 = arith.constant 0 : i32
        %dma_start3A_228 = arith.constant 0 : i32
        %dma_start3A_229 = tpu.memref_slice %arg5[%dma_start3A_227, %dma_start3A_228] : memref<10000x128xf32, #tpu.memory_space<vmem_shared>> -> memref<10000x128xf32, #tpu.memory_space<vmem_shared>>
        tpu.enqueue_indirect_dma source(%dma_start3A_229 : memref<10000x128xf32, #tpu.memory_space<vmem_shared>>) target(%dma_start3A_224 : memref<80x128xf32, #tpu.memory_space<vmem>>) offsets(%dma_start3A_226 : memref<80xi32, #tpu.memory_space<vmem>>) semaphore(%arg9 : memref<!tpu.dma_semaphore, #tpu.memory_space<semaphore_mem>>)
      } else {
      }
    }
    %scan3A_80 = arith.constant 58 : i32
    %dma_wait3A_81 = arith.constant 0 : i32
    %dma_wait3A_82 = arith.constant 0 : i32
    %dma_wait3A_83 = tpu.memref_slice %arg7[%dma_wait3A_81, %dma_wait3A_82] : memref<80x128xf32, #tpu.memory_space<vmem>> -> memref<80x128xf32, #tpu.memory_space<vmem>>
    %dma_wait3A_84 = arith.constant 9920 : i32
    %dma_wait3A_85 = tpu.memref_slice %arg6[%dma_wait3A_84] : memref<10000xi32, #tpu.memory_space<vmem>> -> memref<80xi32, #tpu.memory_space<vmem>>
    %dma_wait3A_86 = arith.constant 0 : i32
    %dma_wait3A_87 = arith.constant 0 : i32
    %dma_wait3A_88 = tpu.memref_slice %arg5[%dma_wait3A_86, %dma_wait3A_87] : memref<10000x128xf32, #tpu.memory_space<vmem_shared>> -> memref<10000x128xf32, #tpu.memory_space<vmem_shared>>
    tpu.wait_indirect_dma semaphore(%arg9 : memref<!tpu.dma_semaphore, #tpu.memory_space<semaphore_mem>>) src(%dma_wait3A_88 : memref<10000x128xf32, #tpu.memory_space<vmem_shared>>) dst(%dma_wait3A_83 : memref<80x128xf32, #tpu.memory_space<vmem>>)
    %add3A_89 = arith.constant 9920 : i32
    %add3A_90 = arith.addi %mul3A_2, %add3A_89 : i32
    %dma_start3A_91 = arith.constant 0 : i32
    %dma_start3A_92 = arith.constant 0 : i32
    %dma_start3A_93 = tpu.memref_slice %arg7[%dma_start3A_91, %dma_start3A_92] : memref<80x128xf32, #tpu.memory_space<vmem>> -> memref<80x128xf32, #tpu.memory_space<vmem>>
    %dma_start3A_94 = arith.constant 0 : i32
    %dma_start3A_95 = tpu.memref_slice %arg4[%add3A_90, %dma_start3A_94] : memref<320000x128xf32, #tpu.memory_space<hbm>> -> memref<80x128xf32, #tpu.memory_space<hbm>>
    %dma_start3A_96 = arith.constant 0 : i32
    %dma_start3A_97 = tpu.memref_slice %arg4[%add3A_90, %dma_start3A_96] : memref<320000x128xf32, #tpu.memory_space<hbm>> -> memref<80x128xf32, #tpu.memory_space<hbm>>
    %dma_start3A_98 = arith.constant 0 : i32
    %dma_start3A_99 = arith.constant 0 : i32
    %dma_start3A_100 = tpu.memref_slice %arg7[%dma_start3A_98, %dma_start3A_99] : memref<80x128xf32, #tpu.memory_space<vmem>> -> memref<80x128xf32, #tpu.memory_space<vmem>>
    tpu.enqueue_dma source(%dma_start3A_100 : memref<80x128xf32, #tpu.memory_space<vmem>>) target(%dma_start3A_97 : memref<80x128xf32, #tpu.memory_space<hbm>>) target_semaphore(%arg11 : memref<!tpu.dma_semaphore, #tpu.memory_space<semaphore_mem>>)
    %add3A_101 = arith.constant 9840 : i32
    %add3A_102 = arith.addi %mul3A_2, %add3A_101 : i32
    %dma_wait3A_103 = arith.constant 0 : i32
    %dma_wait3A_104 = arith.constant 0 : i32
    %dma_wait3A_105 = tpu.memref_slice %arg8[%dma_wait3A_103, %dma_wait3A_104] : memref<80x128xf32, #tpu.memory_space<vmem>> -> memref<80x128xf32, #tpu.memory_space<vmem>>
    %dma_wait3A_106 = arith.constant 0 : i32
    %dma_wait3A_107 = tpu.memref_slice %arg4[%add3A_102, %dma_wait3A_106] : memref<320000x128xf32, #tpu.memory_space<hbm>> -> memref<80x128xf32, #tpu.memory_space<hbm>>
    %dma_wait3A_108 = arith.constant 0 : i32
    %dma_wait3A_109 = tpu.memref_slice %arg4[%add3A_102, %dma_wait3A_108] : memref<320000x128xf32, #tpu.memory_space<hbm>> -> memref<80x128xf32, #tpu.memory_space<hbm>>
    %dma_wait3A_110 = arith.constant 0 : i32
    %dma_wait3A_111 = arith.constant 0 : i32
    %dma_wait3A_112 = tpu.memref_slice %arg8[%dma_wait3A_110, %dma_wait3A_111] : memref<80x128xf32, #tpu.memory_space<vmem>> -> memref<80x128xf32, #tpu.memory_space<vmem>>
    tpu.wait_dma2 semaphore(%arg12 : memref<!tpu.dma_semaphore, #tpu.memory_space<semaphore_mem>>) src(%dma_wait3A_112 : memref<80x128xf32, #tpu.memory_space<vmem>>) dst(%dma_wait3A_109 : memref<80x128xf32, #tpu.memory_space<hbm>>)
    %add3A_113 = arith.constant 9920 : i32
    %add3A_114 = arith.addi %mul3A_2, %add3A_113 : i32
    %dma_wait3A_115 = arith.constant 0 : i32
    %dma_wait3A_116 = arith.constant 0 : i32
    %dma_wait3A_117 = tpu.memref_slice %arg7[%dma_wait3A_115, %dma_wait3A_116] : memref<80x128xf32, #tpu.memory_space<vmem>> -> memref<80x128xf32, #tpu.memory_space<vmem>>
    %dma_wait3A_118 = arith.constant 0 : i32
    %dma_wait3A_119 = tpu.memref_slice %arg4[%add3A_114, %dma_wait3A_118] : memref<320000x128xf32, #tpu.memory_space<hbm>> -> memref<80x128xf32, #tpu.memory_space<hbm>>
    %dma_wait3A_120 = arith.constant 0 : i32
    %dma_wait3A_121 = tpu.memref_slice %arg4[%add3A_114, %dma_wait3A_120] : memref<320000x128xf32, #tpu.memory_space<hbm>> -> memref<80x128xf32, #tpu.memory_space<hbm>>
    %dma_wait3A_122 = arith.constant 0 : i32
    %dma_wait3A_123 = arith.constant 0 : i32
    %dma_wait3A_124 = tpu.memref_slice %arg7[%dma_wait3A_122, %dma_wait3A_123] : memref<80x128xf32, #tpu.memory_space<vmem>> -> memref<80x128xf32, #tpu.memory_space<vmem>>
    tpu.wait_dma2 semaphore(%arg11 : memref<!tpu.dma_semaphore, #tpu.memory_space<semaphore_mem>>) src(%dma_wait3A_124 : memref<80x128xf32, #tpu.memory_space<vmem>>) dst(%dma_wait3A_121 : memref<80x128xf32, #tpu.memory_space<hbm>>)
    return
  }
}

</mosaic_0001>

<sc_bundles>
// kernel: kernel.3.cloned.1.call-start
scs
__scs_entry_jumppad:
0x0: {  	(pc) =	sbr.rel $0x88, $3  }
0x1: {  	(tag) =	ssettag $0x0;
	lr =	simm.s32 $0x1  }
0x2: {  	[smem:$0x3F9F] =	sst lr;
	_ =	strace $0xD0000000  }
0x3: {  	_ = 	snop  }
0x4: {  	_ = 	snop  }
0x5: {  	_ = 	snop  }
0x6: {  	_ = 	snop  }
0x7: {  	_ = 	snop  }
__scs_overlays_trampoline_lowered:
0x8: {  	[smem:$0x3FAE] =	sst s0  }
0x9: {  	[smem:$0x3FAF] =	sst s1  }
0xa: {  	[smem:$0x3FB0] =	sst s2  }
0xb: {  	[smem:$0x3FB1] =	sst s3  }
0xc: {  	[smem:$0x3FB2] =	sst s4  }
0xd: {  	[smem:$0x3FB3] =	sst s5  }
0xe: {  	[smem:$0x3FB4] =	sst s6  }
0xf: {  	[smem:$0x3FB5] =	sst s7  }
0x10: {  	[smem:$0x3FB6] =	sst s8  }
0x11: {  	[smem:$0x3FB7] =	sst s9;
	s0 =	simm.s32 @!p0 $0x0  }
0x12: {  	s1 =	sld [smem:$0x3F9D];
	s0 =	simm.s32 @p0 $0x1  }
0x13: {  	[smem:$0x3FB8] =	sst s0;
	s0 =	simm.s32 @!p1 $0x0  }
0x14: {  	s2 =	sld [smem:$0x3F9C];
	s0 =	simm.s32 @p1 $0x1  }
0x15: {  	[smem:$0x3FB9] =	sst s0;
	s0 =	simm.s32 @!p2 $0x0  }
0x16: {  	s3 =	sld [smem:$0x3FDB];
	s0 =	simm.s32 @p2 $0x1  }
0x17: {  	s4 =	simm.s32 $0x1BF5;
	[smem:$0x3FBB] =	sst s0  }
0x18: {  	s0 =	sld [smem:$0x3F9E];
	_ =	swait.ge [sflag:s4], $0x0  }
0x19: {  	s7 =	sld [smem:$0x3F9F]  }
0x1a: {  	s8 =	sadd.s32 $0xFFFFE003, lr  }
0x1b: {  	s9 =	sadd.s32 $0xFFFFFEF7, lr;
	s5 =	simm.s32 $0xFFFFFFFF;
	p2 =	slt.u32 s8, $0xFFFFF086  }
0x1c: {  	p1 =	slt.u32 s9, $0xF7A;
	s5 =	simm.s32 @!p2 $0x0  }
0x1d: {  	s5 =	simm.s32 @p1 $0x1;
	p0 =	seq.s32 s7, s2  }
0x1e: {  	s7 =	smul.u32 @!p0 $0xF7A, s2;
	p2 =	seq.s32 @!p0 s5, $0x0  }
0x1f: {  	s9 =	smul.u32 $0xF7A, s1;
	s8 =	simm.s32 @!p0 $0x1BF5;
	p2 =	por !p2, p0  }
0x20: {  	[sflag:s8] =	ssyncset.s32 @!p0 $0xFFFFF086;
	s6 =	sadd.s32 @!p0 s3, s7;
	s7 =	simm.s32 @!p0 $0x108  }
0x21: {  	s3 =	sadd.s32 s3, s9;
	s6 =	sadd.s32 @!p0 $0x88, s6;
	s7 =	simm.s32 @p2 $0x1082  }
0x22: {  	[simem:s7], [sflag:s8] =	dma.local @!p0 [hbm:s6], $0xF7A  }
0x23: {  	s9 =	sor.u32 $0xD0000000, s2;
	s6 =	simm.s32 $0x108;
	_ =	swait.ge @!p0 [sflag:s8], $0x0  }
0x24: {  	s3 =	sadd.s32 $0x88, s3;
	s6 =	simm.s32 @!p1 $0x1082;
	[sflag:s4] =	ssyncset.s32 $0xFFFFF086  }
0x25: {  	[simem:s6], [sflag:s4] =	dma.local [hbm:s3], $0xF7A  }
0x26: {  	[smem:$0x3F9F] =	sst s1;
	(tag) =	ssettag s2;
	_ =	strace s9  }
0x27: {  	s1 =	sld [smem:$0x3FAF]  }
0x28: {  	s2 =	sld [smem:$0x3FB0]  }
0x29: {  	s4 =	sld [smem:$0x3FB2]  }
0x2a: {  	p0 =	seq.s32 s5, $0x0;
	s5 =	sld [smem:$0x3FB3]  }
0x2b: {  	s6 =	sld [smem:$0x3FB4]  }
0x2c: {  	s7 =	sld [smem:$0x3FB5]  }
0x2d: {  	s3 =	simm.s32 $0x108;
	s8 =	sld [smem:$0x3FB6]  }
0x2e: {  	s3 =	simm.s32 @!p0 $0x1082;
	s9 =	sld [smem:$0x3FB7]  }
0x2f: {  	lr =	sadd.s32 s0, s3;
	s0 =	sld [smem:$0x3FAE]  }
0x30: {  	s3 =	sld [smem:$0x3FB1]  }
0x31: {  	[smem:$0x3FBA] =	sst s10  }
0x32: {  	s10 =	sld [smem:$0x3FB8];
	_ =	sdelay $0x3  }
0x33: {  	p0 =	seq.s32 s10, $0x1;
	s10 =	sld [smem:$0x3FBA];
	_ =	sdelay $0x3  }
0x34: {  	[smem:$0x3FBA] =	sst s10  }
0x35: {  	s10 =	sld [smem:$0x3FB9];
	_ =	sdelay $0x3  }
0x36: {  	p1 =	seq.s32 s10, $0x1;
	s10 =	sld [smem:$0x3FBA];
	_ =	sdelay $0x3  }
0x37: {  	[smem:$0x3FBA] =	sst s10  }
0x38: {  	s10 =	sld [smem:$0x3FBB]  }
0x39: {  	_ = 	snop;
	(pc) =	sbr.ind lr, $3  }
0x3a: {  	_ = 	snop  }
0x3b: {  	_ = 	snop  }
0x3c: {  	p2 =	seq.s32 s10, $0x1;
	s10 =	sld [smem:$0x3FBA]  }
0x3d: {  	_ =	shalt  }
0x3e: {  	_ =	shalt  }
0x3f: {  	_ =	shalt  }
0x40: {  	_ =	shalt  }
0x41: {  	_ =	shalt  }
0x42: {  	_ =	shalt  }
0x43: {  	_ =	shalt  }
0x44: {  	_ =	shalt  }
0x45: {  	_ =	shalt  }
0x46: {  	_ =	shalt  }
0x47: {  	_ =	shalt  }
0x48: {  	_ =	shalt  }
0x49: {  	_ =	shalt  }
0x4a: {  	_ =	shalt  }
0x4b: {  	_ =	shalt  }
0x4c: {  	_ =	shalt  }
0x4d: {  	_ =	shalt  }
0x4e: {  	_ =	shalt  }
0x4f: {  	_ =	shalt  }
0x50: {  	_ =	shalt  }
0x51: {  	_ =	shalt  }
0x52: {  	_ =	shalt  }
0x53: {  	_ =	shalt  }
0x54: {  	_ =	shalt  }
0x55: {  	_ =	shalt  }
0x56: {  	_ =	shalt  }
0x57: {  	_ =	shalt  }
0x58: {  	_ =	shalt  }
0x59: {  	_ =	shalt  }
0x5a: {  	_ =	shalt  }
0x5b: {  	_ =	shalt  }
0x5c: {  	_ =	shalt  }
0x5d: {  	_ =	shalt  }
0x5e: {  	_ =	shalt  }
0x5f: {  	_ =	shalt  }
0x60: {  	_ =	shalt  }
0x61: {  	_ =	shalt  }
0x62: {  	_ =	shalt  }
0x63: {  	_ =	shalt  }
0x64: {  	_ =	shalt  }
0x65: {  	_ =	shalt  }
0x66: {  	_ =	shalt  }
0x67: {  	_ =	shalt  }
0x68: {  	_ =	shalt  }
0x69: {  	_ =	shalt  }
0x6a: {  	_ =	shalt  }
0x6b: {  	_ =	shalt  }
0x6c: {  	_ =	shalt  }
0x6d: {  	_ =	shalt  }
0x6e: {  	_ =	shalt  }
0x6f: {  	_ =	shalt  }
0x70: {  	_ =	shalt  }
0x71: {  	_ =	shalt  }
0x72: {  	_ =	shalt  }
0x73: {  	_ =	shalt  }
0x74: {  	_ =	shalt  }
0x75: {  	_ =	shalt  }
0x76: {  	_ =	shalt  }
0x77: {  	_ =	shalt  }
0x78: {  	_ =	shalt  }
0x79: {  	_ =	shalt  }
0x7a: {  	_ =	shalt  }
0x7b: {  	_ =	shalt  }
0x7c: {  	_ =	shalt  }
0x7d: {  	_ =	shalt  }
0x7e: {  	_ =	shalt  }
0x7f: {  	_ =	shalt  }
0x80: {  	_ =	shalt  }
0x81: {  	_ =	shalt  }
0x82: {  	_ =	shalt  }
0x83: {  	_ =	shalt  }
0x84: {  	_ =	shalt  }
0x85: {  	_ =	shalt  }
0x86: {  	_ =	shalt  }
0x87: {  	_ =	shalt  }
.Lfunc_end0:
.L_simem_size_0:
called_computation_lowered:
.L_overlay_start_0:
0x88: {  	s2 =	sld [smem:$0x3FD9]  }
0x89: {  	s3 =	sld [smem:$0x3FFE];
	_ =	sdelay $0x1  }
0x8a: {  	s1 =	srdreg.scid  }
0x8b: {  	s0 =	sand.u32 $0x1, s1  }
0x8c: {  	s17 =	sshll.u32 s0, $0xA;
	s2 =	sadd.s32 s3, s2  }
0x8d: {  	s2 =	sadd.s32 s2, s17  }
0x8e: {  	[smem:$0x3FC6] =	sst s2  }
0x8f: {  	_ = 	snop  }
0x90: {  	s2 =	sld [smem:$0x3FC8]  }
0x91: {  	s18 =	sld [smem:$0x3FD0];
	(tm) =	ssettm $0x1  }
0x92: {  	s4 =	sld [smem:$0x3FFB];
	_ =	sdelay $0x3  }
0x93: {  	_ =	strace s4  }
0x94: {  	s4 =	sld [smem:$0x3FFC];
	_ =	sdelay $0x3  }
0x95: {  	_ =	strace s4  }
0x96: {  	s4 =	sld [smem:$0x3FFD];
	_ =	sdelay $0x3  }
0x97: {  	_ =	strace s4  }
0x98: {  	_ =	strace $0x8FFFFFFF  }
0x99: {  	s19 =	sld [smem:$0x3FDB];
	_ =	sdelay $0x1  }
0x9a: {  	s5 =	simm.s32 $_scs_section_size  }
0x9b: {  	s6 =	simm.s32 $_size__tile_overlayer_lowered;
	s7 =	simm.s32 $_tile_overlayer_lowered  }
0x9c: {  	s22 =	simm.s32 $0x1BFF;
	s21 =	sshll.u32 s7, $0x1;
	s4 =	sadd.s32 s5, s19  }
0x9d: {  	s8 =	simm.s32 $0x0;
	s20 =	sshll.u32 s6, $0x1;
	s6 =	sadd.s32 s21, s4  }
0x9e: {  	[timem:s8], [sflag:s22] =	dma.local [hbm:s6], s20  }
0x9f: {  	_ =	swait.ge [sflag:s22], s20  }
0xa0: {  	s5 =	ssub.s32 $0x0, s20;
	[sflag:s22] =	ssyncset.done $0x0  }
0xa1: {  	[sflag:s22] =	ssyncadd.s32 s5;
	_ =	sdelay $0x1  }
0xa2: {  	s23 =	simm.s32 $0x1B8B  }
0xa3: {  	_ =	swait.ge [sflag:s23], $0x1  }
0xa4: {  	[sflag:s23] =	ssyncset.done $0x0  }
0xa5: {  	s25 =	simm.s32 $0x1B8E;
	s24 =	sld [smem:$0x3FFE];
	[sflag:s23] =	ssyncadd.s32 $0xFFFFFFFF  }
0xa6: {  	s26 =	simm.s32 $execute0_lowered;
	[smem:$0x3FD2] =	sst s25  }
0xa7: {  	s6 =	sshll.u32 s26, $0x1;
	_ =	strace $0x80000046;
	[dreg:$0x1] =	wrdreg $0xFFFFFFFF  }
0xa8: {  	s28 =	simm.s32 $_size_execute0_lowered;
	s4 =	sadd.s32 s4, s6;
	[dreg:$0x0] =	wrdreg $0x0  }
0xa9: {  	s6 =	sshll.u32 s28, $0x1;
	[dreg:$0x2] =	wrdreg s4  }
0xaa: {  	[dreg:$0x3] =	wrdreg s6  }
0xab: {  	[dreg:$0x4] =	wrdreg $0xC0  }
0xac: {  	_ =	task [dreg:s8], $0x5FFFF  }
0xad: {  	[dreg:$0x1] =	wrdreg $0xFFFFFFFF  }
0xae: {  	[dreg:$0x0] =	wrdreg $0x60  }
0xaf: {  	[dreg:$0x2] =	wrdreg s24  }
0xb0: {  	[dreg:$0x3] =	wrdreg s2  }
0xb1: {  	[dreg:$0x4] =	wrdreg s18  }
0xb2: {  	[dreg:$0x5] =	wrdreg $0x0  }
0xb3: {  	[dreg:$0x6] =	wrdreg $0x9  }
0xb4: {  	_ =	task.clear_ibuf [dreg:s8], $0x7FFFF;
	_ =	strace $0x90000046  }
0xb5: {  	s29 =	simm.s32 $0x9;
	_ =	strace $0x80000048  }
0xb6: {  	_ =	swait.ge [sflag:s29], $0x1  }
0xb7: {  	[sflag:s29] =	ssyncadd.s32 $0xFFFFFFFF  }
0xb8: {  	_ =	strace $0x90000048  }
0xb9: {  	_ =	sfence  }
0xba: {  	s30 =	sld [smem:$0x0];
	_ =	sdelay $0x2  }
0xbb: {  	s31 =	sshll.u32 s1, $0xD;
	s1 =	sshrl.u32 s1, $0x2  }
0xbc: {  	s3 =	sand.u32 $0x4000, s31;
	s1 =	sadd.s32 s1, s30  }
0xbd: {  	s0 =	sor.u32 s3, s0;
	s1 =	sshll.u32 s1, $0x11  }
0xbe: {  	s0 =	sor.u32 s1, s0  }
0xbf: {  	s0 =	sadd.s32 $0x8F2B, s0  }
0xc0: {  	[sflag:s0] =	ssyncadd.remote.s32 $0x1  }
0xc1: {  	_ =	sfence.sel $0xFFFF  }
0xc2: {  	[dreg:$0x0] =	wrdreg $0xFFFFFFFF;
	(pc) =	sbr.abs _section_cstart, $3  }
0xc3: {  	[dreg:$0x1] =	wrdreg $0xFFFFFFFF  }
0xc4: {  	_ =	task.clear_ibuf [dreg:s8], $0x2FFFF;
	_ =	strace $0x9FFFFFFF  }
0xc5: {  	(tm) =	ssettm $0x7FFFFFFF  }
tec
execute0_lowered:
.L_overlay_start_1:
0x0: {  	(tag) =	ssettag $0x1  }
0x1: {  	s1 =	rddreg [dreg:$0x0]  }
0x2: {  	s0 =	rddreg [dreg:$0x1]  }
0x3: {  	s4 =	rddreg [dreg:$0x2]  }
0x4: {  	s3 =	srdreg.scid;
	s6 =	stileid.u32  }
0x5: {  	s2 =	rddreg [dreg:$0x3];
	s29 =	simm.s32 $0x18800;
	s30 =	simm.s32 $0x1  }
0x6: {  	s31 =	simm.s32 $0x3;
	s28 =	simm.s32 $0x2;
	s7 =	sand.u32 $0x1, s3  }
0x7: {  	s17 =	sshll.u32 s6, $0x1;
	s3 =	simm.s32 $0x0;
	s11 =	smul.u32 $0x4E000, s6  }
0x8: {  	s18 =	smul.u32 $0x2700, s6;
	s12 =	sshll.u32 s6, $0x6;
	s22 =	sadd.s32 $0x138000, s2  }
0x9: {  	s20 =	sadd.s32 $0x27000, s0;
	s26 =	smul.u32 $0x4E200, s6;
	p0 =	sne.s32 s6, $0x0  }
0xa: {  	s8 =	sor.u32 s7, s17;
	s5 =	ssub.s32 $0x2, s7;
	s7 =	smul.u32 $0x27100, s7  }
0xb: {  	s6 =	simm.s32 $0x0;
	[smem:$0x7FF] =	sst s3;
	s9 =	smul.u32 $0x2710, s8  }
0xc: {  	s22 =	sshrl.u32 @!p0 s22, $0x3;
	s10 =	sshrl.u32 s5, $0x1;
	s13 =	smul.u32 $0x138800, s8  }
0xd: {  	_ =	strace $0x80000047;
	s11 =	sshrl.u32 s11, $0x2;
	s8 =	smul.u32 $0x27100, s8  }
0xe: {  	[dreg:$0x6] =	wrdreg s20;
	s10 =	ssub.s32 s5, s10;
	s5 =	sadd.s32 s0, s18  }
0xf: {  	s21 =	sadd.s32 s11, s2;
	[dreg:$0x5] =	wrdreg s5;
	s5 =	sor.u32 $0x1C05, s12  }
0x10: {  	s19 =	sshrl.u32 s13, $0x3;
	s9 =	sshrl.u32 s9, $0x3;
	s24 =	smax.u32 s10, $0x1  }
0x11: {  	s21 =	sshrl.u32 s21, $0x3;
	s11 =	sadd.s32 s4, s19;
	s1 =	sadd.s32 s1, s9  }
0x12: {  	s9 =	sadd.s32 s4, s8;
	[dreg:$0x9] =	wrdreg s24;
	s24 =	simm.s32 $0x6  }
0x13: {  	[dreg:$0x7] =	wrdreg s1;
	s23 =	sadd.s32 $0x26C00, s11;
	s25 =	sadd.s32 $0x500, s9  }
0x14: {  	s12 =	sadd.s32 $0xA00, s9;
	s13 =	sadd.s32 $0xF00, s9;
	s14 =	sadd.s32 $0x1400, s9  }
0x15: {  	s15 =	sadd.s32 $0x1900, s9;
	s16 =	sadd.s32 $0x1E00, s9;
	s17 =	sadd.s32 $0x2300, s9  }
0x16: {  	s18 =	sadd.s32 $0x26200, s9;
	s1 =	sadd.s32 s26, s4;
	s19 =	sadd.s32 $0x26700, s9  }
0x17: {  	s26 =	simm.s32 $0x16000;
	s4 =	simm.s32 $0x5;
	[dreg:$0x8] =	wrdreg s23  }
0x18: {  	[dreg:$0xa] =	wrdreg s25;
	s1 =	sadd.s32 s7, s1;
	s23 =	simm.s32 $0x13880  }
0x19: {  	s25 =	simm.s32 $0x50;
	s20 =	sadd.s32 $0x2D00, s1;
	s1 =	simm.s32 $0x4  }
.LBB2_1:
0x1a: {  	s7 =	rddreg [dreg:$0x5]  }
0x1b: {  	[spmem:s21], [sflag:s5] =	dma.local [hbm:s7], $0x2700  }
0x1c: {  	s7 =	rddreg [dreg:$0x6]  }
0x1d: {  	[spmem:s22], [sflag:s5] =	dma.local @!p0 [hbm:s7], $0x100  }
0x1e: {  	s7 =	rddreg [dreg:$0x7]  }
0x1f: {  	[tilespmem:s23], [sflag:$0x6] =	stream.linear.gather [hbm4b:s7+s3], $0x2710, $0x38;
	[tilespmem:$0x1B000] =	vst v63  }
0x20: {  	_ =	swait.ge [sflag:s24], $0x2710  }
0x21: {  	[sflag:s24] =	ssyncset.done $0x0  }
0x22: {  	[sflag:s24] =	ssyncadd.s32 $0xFFFFD8F0  }
0x23: {  	[tilespmem:s26], [sflag:$0x1] =	stream.indirect.gather [hbm4b:s0+s25], $0x80, s23, s25, $0xb8;
	[tilespmem:$0x1B000] =	vst v63  }
0x24: {  	s8 =	simm.s32 $0x138D0  }
0x25: {  	[tilespmem:s29], [sflag:$0x2] =	stream.indirect.gather [hbm4b:s0+s25], $0x80, s8, s25, $0xb8;
	[tilespmem:$0x1B000] =	vst v63  }
0x26: {  	_ =	swait.ge [sflag:s30], $0x2800  }
0x27: {  	[sflag:s30] =	ssyncset.done $0x0  }
0x28: {  	[sflag:s30] =	ssyncadd.s32 $0xFFFFD800  }
0x29: {  	[hbm4b:s9+s3] =	stream.linear.scatter [tilespmem:s26], [sflag:$0x3], $0x2800, $0x38;
	[tilespmem:$0x1B000] =	vst v63  }
0x2a: {  	_ =	swait.ge [sflag:s31], $0x2800  }
0x2b: {  	[sflag:s31] =	ssyncset.done $0x0  }
0x2c: {  	s10 =	simm.s32 $0x13920;
	[sflag:s31] =	ssyncadd.s32 $0xFFFFD800  }
0x2d: {  	[tilespmem:s26], [sflag:$0x1] =	stream.indirect.gather [hbm4b:s0+s25], $0x80, s10, s25, $0xb8;
	[tilespmem:$0x1B000] =	vst v63  }
0x2e: {  	_ =	swait.ge [sflag:s28], $0x2800  }
0x2f: {  	[sflag:s28] =	ssyncset.done $0x0  }
0x30: {  	s11 =	rddreg [dreg:$0xa];
	[sflag:s28] =	ssyncadd.s32 $0xFFFFD800  }
0x31: {  	[hbm4b:s11+s3] =	stream.linear.scatter [tilespmem:s29], [sflag:$0x4], $0x2800, $0x38;
	[tilespmem:$0x1B000] =	vst v63  }
0x32: {  	_ =	swait.ge [sflag:s1], $0x2800  }
0x33: {  	[sflag:s1] =	ssyncset.done $0x0  }
0x34: {  	s8 =	simm.s32 $0x13970;
	[sflag:s1] =	ssyncadd.s32 $0xFFFFD800  }
0x35: {  	[tilespmem:s29], [sflag:$0x2] =	stream.indirect.gather [hbm4b:s0+s25], $0x80, s8, s25, $0xb8;
	[tilespmem:$0x1B000] =	vst v63  }
0x36: {  	_ =	swait.ge [sflag:s30], $0x2800  }
0x37: {  	[sflag:s30] =	ssyncset.done $0x0  }
0x38: {  	[sflag:s30] =	ssyncadd.s32 $0xFFFFD800  }
0x39: {  	[hbm4b:s12+s3] =	stream.linear.scatter [tilespmem:s26], [sflag:$0x3], $0x2800, $0x38;
	[tilespmem:$0x1B000] =	vst v63  }
0x3a: {  	_ =	swait.ge [sflag:s31], $0x2800  }
0x3b: {  	[sflag:s31] =	ssyncset.done $0x0  }
0x3c: {  	s10 =	simm.s32 $0x139C0;
	[sflag:s31] =	ssyncadd.s32 $0xFFFFD800  }
0x3d: {  	[tilespmem:s26], [sflag:$0x1] =	stream.indirect.gather [hbm4b:s0+s25], $0x80, s10, s25, $0xb8;
	[tilespmem:$0x1B000] =	vst v63  }
0x3e: {  	_ =	swait.ge [sflag:s28], $0x2800  }
0x3f: {  	[sflag:s28] =	ssyncset.done $0x0  }
0x40: {  	[sflag:s28] =	ssyncadd.s32 $0xFFFFD800  }
0x41: {  	[hbm4b:s13+s3] =	stream.linear.scatter [tilespmem:s29], [sflag:$0x4], $0x2800, $0x38;
	[tilespmem:$0x1B000] =	vst v63  }
0x42: {  	_ =	swait.ge [sflag:s1], $0x2800  }
0x43: {  	[sflag:s1] =	ssyncset.done $0x0  }
0x44: {  	s11 =	simm.s32 $0x13A10;
	[sflag:s1] =	ssyncadd.s32 $0xFFFFD800  }
0x45: {  	[tilespmem:s29], [sflag:$0x2] =	stream.indirect.gather [hbm4b:s0+s25], $0x80, s11, s25, $0xb8;
	[tilespmem:$0x1B000] =	vst v63  }
0x46: {  	_ =	swait.ge [sflag:s30], $0x2800  }
0x47: {  	[sflag:s30] =	ssyncset.done $0x0  }
0x48: {  	[sflag:s30] =	ssyncadd.s32 $0xFFFFD800  }
0x49: {  	[hbm4b:s14+s3] =	stream.linear.scatter [tilespmem:s26], [sflag:$0x3], $0x2800, $0x38;
	[tilespmem:$0x1B000] =	vst v63  }
0x4a: {  	_ =	swait.ge [sflag:s31], $0x2800  }
0x4b: {  	[sflag:s31] =	ssyncset.done $0x0  }
0x4c: {  	s8 =	simm.s32 $0x13A60;
	[sflag:s31] =	ssyncadd.s32 $0xFFFFD800  }
0x4d: {  	[tilespmem:s26], [sflag:$0x1] =	stream.indirect.gather [hbm4b:s0+s25], $0x80, s8, s25, $0xb8;
	[tilespmem:$0x1B000] =	vst v63  }
0x4e: {  	_ =	swait.ge [sflag:s28], $0x2800  }
0x4f: {  	[sflag:s28] =	ssyncset.done $0x0  }
0x50: {  	[sflag:s28] =	ssyncadd.s32 $0xFFFFD800  }
0x51: {  	[hbm4b:s15+s3] =	stream.linear.scatter [tilespmem:s29], [sflag:$0x4], $0x2800, $0x38;
	[tilespmem:$0x1B000] =	vst v63  }
0x52: {  	_ =	swait.ge [sflag:s1], $0x2800  }
0x53: {  	[sflag:s1] =	ssyncset.done $0x0  }
0x54: {  	s10 =	simm.s32 $0x13AB0;
	[sflag:s1] =	ssyncadd.s32 $0xFFFFD800  }
0x55: {  	[tilespmem:s29], [sflag:$0x2] =	stream.indirect.gather [hbm4b:s0+s25], $0x80, s10, s25, $0xb8;
	[tilespmem:$0x1B000] =	vst v63  }
0x56: {  	_ =	swait.ge [sflag:s30], $0x2800  }
0x57: {  	[sflag:s30] =	ssyncset.done $0x0  }
0x58: {  	[sflag:s30] =	ssyncadd.s32 $0xFFFFD800  }
0x59: {  	[hbm4b:s16+s3] =	stream.linear.scatter [tilespmem:s26], [sflag:$0x3], $0x2800, $0x38;
	[tilespmem:$0x1B000] =	vst v63  }
0x5a: {  	_ =	swait.ge [sflag:s28], $0x2800  }
0x5b: {  	[sflag:s28] =	ssyncset.done $0x0  }
0x5c: {  	[sflag:s28] =	ssyncadd.s32 $0xFFFFD800  }
0x5d: {  	[hbm4b:s17+s3] =	stream.linear.scatter [tilespmem:s29], [sflag:$0x4], $0x2800, $0x38;
	[tilespmem:$0x1B000] =	vst v63  }
0x5e: {  	_ =	swait.ge [sflag:s4], $0x2700  }
0x5f: {  	[sflag:s4] =	ssyncset.done $0x0  }
0x60: {  	s7 =	simm.s32 @!p0 $0x5;
	[sflag:s4] =	ssyncadd.s32 $0xFFFFD900  }
0x61: {  	_ =	swait.ge @!p0 [sflag:s7], $0x100  }
0x62: {  	[sflag:s7] =	ssyncset.done @!p0 $0x0  }
0x63: {  	[sflag:s7] =	ssyncadd.s32 @!p0 $0xFFFFFF00  }
0x64: {  	[bflag:$0x0] =	sbarrier.arrive $0xFFFF  }
0x65: {  	_ =	swait.ge [sflag:s31], $0x2800  }
0x66: {  	[sflag:s31] =	ssyncset.done $0x0  }
0x67: {  	s11 =	simm.s32 $0x13B00;
	[sflag:s31] =	ssyncadd.s32 $0xFFFFD800  }
0x68: {  	[tilespmem:s26], [sflag:$0x1] =	stream.indirect.gather [spmem:s2], $0x80, s11, s25, $0xb8;
	[tilespmem:$0x1B000] =	vst v63  }
0x69: {  	_ =	swait.ge [sflag:s1], $0x2800  }
0x6a: {  	[sflag:s1] =	ssyncset.done $0x0  }
0x6b: {  	s8 =	simm.s32 $0x13B50;
	[sflag:s1] =	ssyncadd.s32 $0xFFFFD800  }
0x6c: {  	[tilespmem:s29], [sflag:$0x2] =	stream.indirect.gather [spmem:s2], $0x80, s8, s25, $0xb8;
	[tilespmem:$0x1B000] =	vst v63  }
0x6d: {  	_ =	swait.ge [sflag:s30], $0x2800  }
0x6e: {  	[sflag:s30] =	ssyncset.done $0x0  }
0x6f: {  	s10 =	sadd.s32 $0xFFFFFB00, s20;
	[sflag:s30] =	ssyncadd.s32 $0xFFFFD800  }
0x70: {  	[hbm4b:s10+s3] =	stream.linear.scatter [tilespmem:s26], [sflag:$0x3], $0x2800, $0x38;
	[tilespmem:$0x1B000] =	vst v63  }
0x71: {  	_ =	swait.ge [sflag:s31], $0x2800  }
0x72: {  	[sflag:s31] =	ssyncset.done $0x0  }
0x73: {  	s11 =	simm.s32 $0x13BA0;
	[sflag:s31] =	ssyncadd.s32 $0xFFFFD800  }
0x74: {  	[tilespmem:s26], [sflag:$0x1] =	stream.indirect.gather [spmem:s2], $0x80, s11, s25, $0xb8;
	[tilespmem:$0x1B000] =	vst v63  }
0x75: {  	_ =	swait.ge [sflag:s28], $0x2800  }
0x76: {  	[sflag:s28] =	ssyncset.done $0x0  }
0x77: {  	[sflag:s28] =	ssyncadd.s32 $0xFFFFD800  }
0x78: {  	[hbm4b:s20+s3] =	stream.linear.scatter [tilespmem:s29], [sflag:$0x4], $0x2800, $0x38;
	[tilespmem:$0x1B000] =	vst v63  }
0x79: {  	_ =	swait.ge [sflag:s1], $0x2800  }
0x7a: {  	s7 =	simm.s32 $0x280;
	[sflag:s1] =	ssyncset.done $0x0  }
0x7b: {  	s8 =	sadd.s32 $0xA00, s20;
	s10 =	simm.s32 $0x13BF0;
	[sflag:s1] =	ssyncadd.s32 $0xFFFFD800  }
.LBB2_2:
0x7c: {  	[tilespmem:s29], [sflag:$0x2] =	stream.indirect.gather [spmem:s2], $0x80, s10, s25, $0xb8;
	[tilespmem:$0x1B000] =	vst v63  }
0x7d: {  	s10 =	smov.u32 s7  }
0x7e: {  	p1 =	sne.s32 s7, $0x8C00;
	s7 =	sadd.s32 $0x280, s7;
	_ =	swait.ge [sflag:s30], $0x2800  }
0x7f: {  	[sflag:s30] =	ssyncset.done $0x0  }
0x80: {  	s11 =	sadd.s32 $0xFFFFFB00, s8;
	[sflag:s30] =	ssyncadd.s32 $0xFFFFD800  }
0x81: {  	[hbm4b:s11+s3] =	stream.linear.scatter [tilespmem:s26], [sflag:$0x3], $0x2800, $0x38;
	[tilespmem:$0x1B000] =	vst v63  }
0x82: {  	_ =	swait.ge [sflag:s31], $0x2800  }
0x83: {  	s10 =	sshra.s32 s10, $0x2;
	[sflag:s31] =	ssyncset.done $0x0  }
0x84: {  	s11 =	sadd.s32 $0x13BA0, s10;
	[sflag:s31] =	ssyncadd.s32 $0xFFFFD800  }
0x85: {  	[tilespmem:s26], [sflag:$0x1] =	stream.indirect.gather [spmem:s2], $0x80, s11, s25, $0xb8;
	[tilespmem:$0x1B000] =	vst v63  }
0x86: {  	_ =	swait.ge [sflag:s28], $0x2800  }
0x87: {  	[sflag:s28] =	ssyncset.done $0x0  }
.Ltmp0:
0x88: {  	[sflag:s28] =	ssyncadd.s32 $0xFFFFD800;
	(pc) =	sbr.rel @p1 .LBB2_2-.Ltmp0, $4  }
0x89: {  	[hbm4b:s8+s3] =	stream.linear.scatter [tilespmem:s29], [sflag:$0x4], $0x2800, $0x38;
	[tilespmem:$0x1B000] =	vst v63  }
0x8a: {  	_ =	swait.ge [sflag:s1], $0x2800  }
0x8b: {  	[sflag:s1] =	ssyncset.done $0x0  }
0x8c: {  	s10 =	sadd.s32 $0x13BF0, s10;
	s8 =	sadd.s32 $0xA00, s8;
	[sflag:s1] =	ssyncadd.s32 $0xFFFFD800  }
0x8d: {  	[tilespmem:s29], [sflag:$0x2] =	stream.indirect.gather [spmem:s2], $0x80, s10, s25, $0xb8;
	[tilespmem:$0x1B000] =	vst v63  }
0x8e: {  	_ =	swait.ge [sflag:s30], $0x2800  }
0x8f: {  	[sflag:s30] =	ssyncset.done $0x0  }
0x90: {  	[sflag:s30] =	ssyncadd.s32 $0xFFFFD800  }
0x91: {  	[hbm4b:s18+s3] =	stream.linear.scatter [tilespmem:s26], [sflag:$0x3], $0x2800, $0x38;
	[tilespmem:$0x1B000] =	vst v63  }
0x92: {  	_ =	swait.ge [sflag:s31], $0x2800  }
0x93: {  	[sflag:s31] =	ssyncset.done $0x0  }
0x94: {  	s7 =	simm.s32 $0x15F40;
	[sflag:s31] =	ssyncadd.s32 $0xFFFFD800  }
0x95: {  	[tilespmem:s26], [sflag:$0x1] =	stream.indirect.gather [spmem:s2], $0x80, s7, s25, $0xb8;
	[tilespmem:$0x1B000] =	vst v63  }
0x96: {  	_ =	swait.ge [sflag:s28], $0x2800  }
0x97: {  	[sflag:s28] =	ssyncset.done $0x0  }
0x98: {  	[sflag:s28] =	ssyncadd.s32 $0xFFFFD800  }
0x99: {  	[hbm4b:s19+s3] =	stream.linear.scatter [tilespmem:s29], [sflag:$0x4], $0x2800, $0x38;
	[tilespmem:$0x1B000] =	vst v63  }
0x9a: {  	_ =	swait.ge [sflag:s30], $0x2800  }
0x9b: {  	[sflag:s30] =	ssyncset.done $0x0  }
0x9c: {  	s10 =	rddreg [dreg:$0x8];
	[sflag:s30] =	ssyncadd.s32 $0xFFFFD800  }
0x9d: {  	[hbm4b:s10+s3] =	stream.linear.scatter [tilespmem:s26], [sflag:$0x3], $0x2800, $0x38;
	[tilespmem:$0x1B000] =	vst v63  }
0x9e: {  	_ =	swait.ge [sflag:s1], $0x2800  }
0x9f: {  	[sflag:s1] =	ssyncset.done $0x0  }
0xa0: {  	[sflag:s1] =	ssyncadd.s32 $0xFFFFD800  }
0xa1: {  	_ =	swait.ge [sflag:s31], $0x2800  }
0xa2: {  	s6 =	sadd.s32 $0x1, s6;
	s11 =	rddreg [dreg:$0x9]  }
0xa3: {  	p1 =	sne.s32 s6, s11  }
.Ltmp1:
0xa4: {  	_ = 	snop;
	(pc) =	sbr.rel @p1 .LBB2_1-.Ltmp1, $3  }
0xa5: {  	_ =	sdelay $0x1  }
0xa6: {  	[sflag:s31] =	ssyncset.done $0x0  }
0xa7: {  	[sflag:s31] =	ssyncadd.s32 $0xFFFFD800  }
0xa8: {  	_ =	sfence.sel $0x180000  }
0xa9: {  	[bflag:$0x0] =	sbarrier.arrive $0xFFFF  }
0xaa: {  	_ =	strace $0x90000047  }
0xab: {  	[bflag:$0x2] =	sbarrier.arrive $0xFFFF  }
0xac: {  	s0 =	rddreg [dreg:$0x4]  }
0xad: {  	s0 =	sadd.s32 @!p0 $0x100000, s0  }
0xae: {  	[sflag:s0] =	ssyncadd.tile.s32 @!p0 $0x1;
	_ =	shalt  }
.Lfunc_end2:
_tile_overlayer_lowered:
.L_overlay_start_2:
0xaf: {  	(tag) =	ssettag $0x2  }
0xb0: {  	s0 =	rddreg [dreg:$0x0];
	s2 =	stileid.u32  }
0xb1: {  	s1 =	rddreg [dreg:$0x1];
	p0 =	sne.s32 s2, $0x0  }
0xb2: {  	s3 =	rddreg [dreg:$0x2];
	[bflag:$0x3] =	sbarrier.arrive $0xFFFF;
	s2 =	simm.s32 @!p0 $0x1C06  }
0xb3: {  	[timem:s3], [sflag:s2] =	dma.local @!p0 [hbm:s0], s1  }
0xb4: {  	s0 =	simm.s32 @!p0 $0x6  }
0xb5: {  	_ =	swait.ge @!p0 [sflag:s0], s1  }
0xb6: {  	s1 =	ssub.s32 @!p0 $0x0, s1;
	[sflag:s0] =	ssyncset.done @!p0 $0x0  }
0xb7: {  	[sflag:s0] =	ssyncadd.s32 @!p0 s1  }
0xb8: {  	[bflag:$0x3] =	sbarrier.arrive $0xFFFF  }
0xb9: {  	_ =	shalt  }

</sc_bundles>
